<compile_context>
chip_gen: v7x
topology: tpu7x:2x2x1
jax: 0.10.2.dev20260603
libtpu: 0.0.44.dev20260713+nightly
codegen_flags: <defaults>
</compile_context>

<pallas_src>
import functools

import jax
import jax.numpy as jnp
from jax import lax
from jax.experimental import pallas as pl
from jax.experimental.pallas import tpu as pltpu
from jax.experimental.pallas import tpu_sc as plsc

_N = 20000
_B = 256
_NB = 80
_NP = _B * _NB
_THRESH = 0.6
_BIG = 1e30

_GD = 16
_GW = 32
_GROWS = _NP // _GW
_GCH = 128
_GNCH = _GROWS // _GCH


@functools.partial(
    pl.kernel,
    mesh=plsc.VectorSubcoreMesh(core_axis_name="c", subcore_axis_name="s"),
    compiler_params=pltpu.CompilerParams(use_tc_tiling_on_sc=False),
    out_type=jax.ShapeDtypeStruct((_NP, _GD), jnp.float32),
    scratch_types=[
        pltpu.VMEM((_GNCH, _GCH), jnp.int32),
        pltpu.VMEM((_GROWS, _GD), jnp.float32),
        pltpu.SemaphoreType.DMA,
    ],
)
def _sc_gather(table_hbm, idx_hbm, out_hbm, idx_v, rows_v, sem):
    wid = lax.axis_index("s") * 2 + lax.axis_index("c")
    pltpu.sync_copy(idx_hbm.at[wid], idx_v)
    copies = []
    for j in range(_GNCH):
        copies.append(pltpu.async_copy(
            table_hbm.at[idx_v.at[j]],
            rows_v.at[pl.ds(j * _GCH, _GCH)], sem))
    for c in copies:
        c.wait()
    pltpu.sync_copy(rows_v, out_hbm.at[pl.ds(wid * _GROWS, _GROWS)])


def _iou(x1c, y1c, x2c, y2c, ac, x1r, y1r, x2r, y2r, ar):
    xx1 = jnp.maximum(x1c, x1r)
    yy1 = jnp.maximum(y1c, y1r)
    xx2 = jnp.minimum(x2c, x2r)
    yy2 = jnp.minimum(y2c, y2r)
    w = jnp.maximum(0.0, xx2 - xx1 + 1.0)
    h = jnp.maximum(0.0, yy2 - yy1 + 1.0)
    inter = w * h
    return inter / (ac + ar - inter)


def _nms_body(x1_ref, y1_ref, x2_ref, y2_ref, keep_ref, m_ref, eye_ref, a_ref):
    nb, b = keep_ref.shape
    keep_ref[...] = jnp.ones((nb, b), jnp.float32)
    a_ref[...] = ((x2_ref[...] - x1_ref[...] + 1.0)
                  * (y2_ref[...] - y1_ref[...] + 1.0))
    ri = lax.broadcasted_iota(jnp.int32, (b, b), 0)
    ci = lax.broadcasted_iota(jnp.int32, (b, b), 1)
    eye_ref[...] = jnp.where(ri == ci, 1.0, 0.0).astype(jnp.float32)
    upper = ri < ci

    def to_col(row):
        return lax.dot_general(
            eye_ref[...], row, (((1,), (1,)), ((), ())),
            preferred_element_type=jnp.float32)

    def block_step(i, _):
        x1r = x1_ref[pl.ds(i, 1), :]
        y1r = y1_ref[pl.ds(i, 1), :]
        x2r = x2_ref[pl.ds(i, 1), :]
        y2r = y2_ref[pl.ds(i, 1), :]
        ar = a_ref[pl.ds(i, 1), :]
        x1c = to_col(x1r)
        y1c = to_col(y1r)
        x2c = to_col(x2r)
        y2c = to_col(y2r)
        ac = to_col(ar)

        iou_in = _iou(x1c, y1c, x2c, y2c, ac, x1r, y1r, x2r, y2r, ar)
        m_ref[...] = jnp.where((iou_in > _THRESH) & upper, 1.0, 0.0)

        def round_cond(st):
            _k, u = st
            return jnp.sum(u) > 0.0

        def round_body(st):
            k, u = st
            ucol = to_col(u)
            blocked = jnp.max(ucol * m_ref[...], axis=0, keepdims=True)
            conf = u * (1.0 - blocked)
            ccol = to_col(conf)
            supp = jnp.max(ccol * m_ref[...], axis=0, keepdims=True)
            return k + conf, u * (1.0 - conf) * (1.0 - supp)

        keep0 = keep_ref[pl.ds(i, 1), :]
        keep_i, _u = lax.while_loop(round_cond, round_body,
                                    (jnp.zeros_like(keep0), keep0))
        keep_ref[pl.ds(i, 1), :] = keep_i

        keep_c = to_col(keep_i)
        x1p = jnp.where(keep_c > 0.0, x1c, _BIG)

        def suppress_one(j2):
            bx1 = x1_ref[pl.ds(j2, 1), :]
            by1 = y1_ref[pl.ds(j2, 1), :]
            bx2 = x2_ref[pl.ds(j2, 1), :]
            by2 = y2_ref[pl.ds(j2, 1), :]
            ba = a_ref[pl.ds(j2, 1), :]
            mx = _iou(x1p, y1c, x2c, y2c, ac, bx1, by1, bx2, by2, ba)
            supp = jnp.max(mx, axis=0, keepdims=True) > _THRESH
            keep_ref[pl.ds(j2, 1), :] = jnp.where(
                supp, 0.0, keep_ref[pl.ds(j2, 1), :])

        npairs = nb - i - 1

        def cross2(p, _c):
            j2 = i + 1 + 2 * p
            suppress_one(j2)
            suppress_one(j2 + 1)
            return _c

        lax.fori_loop(0, npairs // 2, cross2, 0)

        @pl.when(npairs % 2 == 1)
        def _tail():
            suppress_one(nb - 1)

        return _

    lax.fori_loop(0, nb, block_step, 0)


def _nms_pallas(x1, y1, x2, y2, nb, b, interpret=False):
    return pl.pallas_call(
        _nms_body,
        out_shape=jax.ShapeDtypeStruct((nb, b), jnp.float32),
        scratch_shapes=[
            pltpu.VMEM((b, b), jnp.float32),
            pltpu.VMEM((b, b), jnp.float32),
            pltpu.VMEM((nb, b), jnp.float32),
        ],
        interpret=interpret,
    )(x1, y1, x2, y2)


def kernel(roi, score):
    n = roi.shape[0]
    order = jnp.argsort(-score)

    table = jnp.pad(jnp.concatenate([roi, score[:, None]], axis=1),
                    ((0, 1), (0, _GD - 5)))
    idx = jnp.concatenate(
        [order.astype(jnp.int32),
         jnp.full((_NP - n,), n, jnp.int32)]).reshape(_GW, _GNCH, _GCH)
    g = _sc_gather(table, idx)

    b = g[:n, :4]
    s = g[:n, 4]
    x1 = g[:, 0].reshape(_NB, _B)
    y1 = g[:, 1].reshape(_NB, _B)
    x2 = g[:, 2].reshape(_NB, _B)
    y2 = g[:, 3].reshape(_NB, _B)

    keep_f = _nms_pallas(x1, y1, x2, y2, _NB, _B)
    kf = keep_f.reshape(-1)[:n]
    out = jnp.concatenate([b * kf[:, None], (s * kf)[:, None]], axis=1)
    return out, kf > 0.5

# --- scband reference (transcript-rebuilt; emitter-appended) ---
"""Pipeline reference for scband-rpn-23622320128429 (READ-ONLY COPY).

The authoritative reference and input builder live on the scoring server;
editing this copy changes nothing except your own understanding.
"""

import jax, jax.numpy as jnp
import numpy as np

N = 20000
THRESH = 0.6


def setup_inputs(seed: int = 0) -> dict:
    key = jax.random.key(seed)
    k1, k2, k3 = jax.random.split(key, 3)
    # rand fill, then shaped into valid boxes (x1,y1,x2,y2) with x2>x1, y2>y1
    xy = jax.random.uniform(k1, (N, 2), dtype=jnp.float32) * 960.0
    wh = jax.random.uniform(k2, (N, 2), dtype=jnp.float32) * 96.0 + 4.0
    roi = jnp.concatenate([xy, xy + wh], axis=1).astype(jnp.float32)
    score = jax.random.uniform(k3, (N,), dtype=jnp.float32)
    return {"roi": roi, "score": score}


def _nms(roi, score, thresh):
    # Greedy NMS, faithful to the numpy baseline: sort by score descending,
    # iterate, suppress later boxes with IoU > thresh against each kept box.
    order = jnp.argsort(-score)
    b = jnp.take(roi, order, axis=0)
    s = jnp.take(score, order, axis=0)
    x1, y1, x2, y2 = b[:, 0], b[:, 1], b[:, 2], b[:, 3]
    areas = (x2 - x1 + 1.0) * (y2 - y1 + 1.0)
    n = b.shape[0]
    idx = jnp.arange(n)

    def body(i, keep):
        xx1 = jnp.maximum(x1[i], x1)
        yy1 = jnp.maximum(y1[i], y1)
        xx2 = jnp.minimum(x2[i], x2)
        yy2 = jnp.minimum(y2[i], y2)
        w = jnp.maximum(0.0, xx2 - xx1 + 1.0)
        h = jnp.maximum(0.0, yy2 - yy1 + 1.0)
        inter = w * h
        iou = inter / (areas[i] + areas - inter)
        suppress = (iou > thresh) & (idx > i)
        return jnp.where(keep[i], keep & (~suppress), keep)

    keep = jax.lax.fori_loop(0, n, body, jnp.ones((n,), dtype=bool))
    kf = keep.astype(b.dtype)
    # Dense (masked) representation of kept boxes+scores so output shape is static
    out = jnp.concatenate([b * kf[:, None], (s * kf)[:, None]], axis=1)
    return out, keep


def reference(roi, score):
    out, keep = _nms(roi, score, THRESH)
    return out, keep

if __name__ == "__main__":
    import jax
    _d = setup_inputs()
    print(jax.jit(kernel)(*tuple(_d.values())))

</pallas_src>

<mosaic_0001>
#map = affine_map<(d0, d1) -> (0, 0)>
#map1 = affine_map<(d0, d1) -> (0, 0, 0)>
module attributes {stable_mosaic.version = 14 : i64} {
  func.func @_sc_gather(%arg0: i32, %arg1: i32, %arg2: memref<20001x16xf32, #tpu.memory_space<hbm>>, %arg3: memref<32x5x128xi32, #tpu.memory_space<hbm>>, %arg4: memref<20480x16xf32, #tpu.memory_space<hbm>>, %arg5: memref<5x128xi32, #tpu.memory_space<vmem>>, %arg6: memref<640x16xf32, #tpu.memory_space<vmem>>, %arg7: memref<!tpu.dma_semaphore, #tpu.memory_space<semaphore_mem>>) attributes {dimension_semantics = [#tpu.dimension_semantics<core_parallel>, #tpu.dimension_semantics<subcore_parallel>], iteration_bounds = array<i64: 2, 16>, scalar_prefetch = 0 : i64, scratch_operands = 3 : i64, tpu.core_type = #tpu.core_type<sc_vector_subcore>, window_params = [{transform_indices = #map}, {transform_indices = #map1}, {transform_indices = #map}]} {
    %mul3A = arith.constant 2 : i32
    %mul3A_0 = arith.muli %arg1, %mul3A : i32
    %add3A = arith.addi %mul3A_0, %arg0 : i32
    "tpu.region"() ({
      %run_scoped3A = tpu.sem_alloc : memref<!tpu.dma_semaphore, #tpu.memory_space<semaphore_mem>>
      %dma_start3A_101 = arith.constant 0 : i32
      %dma_start3A_102 = arith.constant 0 : i32
      %dma_start3A_103 = tpu.memref_slice %arg3[%add3A, %dma_start3A_101, %dma_start3A_102] : memref<32x5x128xi32, #tpu.memory_space<hbm>> -> memref<1x5x128xi32, #tpu.memory_space<hbm>>
      %dma_start3A_104 = tpu.memref_squeeze %dma_start3A_103 : memref<1x5x128xi32, #tpu.memory_space<hbm>> -> memref<5x128xi32, #tpu.memory_space<hbm>>
      %dma_start3A_105 = arith.constant 0 : i32
      %dma_start3A_106 = arith.constant 0 : i32
      %dma_start3A_107 = tpu.memref_slice %arg3[%add3A, %dma_start3A_105, %dma_start3A_106] : memref<32x5x128xi32, #tpu.memory_space<hbm>> -> memref<1x5x128xi32, #tpu.memory_space<hbm>>
      %dma_start3A_108 = tpu.memref_squeeze %dma_start3A_107 : memref<1x5x128xi32, #tpu.memory_space<hbm>> -> memref<5x128xi32, #tpu.memory_space<hbm>>
      tpu.enqueue_dma source(%dma_start3A_108 : memref<5x128xi32, #tpu.memory_space<hbm>>) target(%arg5 : memref<5x128xi32, #tpu.memory_space<vmem>>) target_semaphore(%run_scoped3A : memref<!tpu.dma_semaphore, #tpu.memory_space<semaphore_mem>>)
      %dma_wait3A_109 = arith.constant 0 : i32
      %dma_wait3A_110 = arith.constant 0 : i32
      %dma_wait3A_111 = tpu.memref_slice %arg3[%add3A, %dma_wait3A_109, %dma_wait3A_110] : memref<32x5x128xi32, #tpu.memory_space<hbm>> -> memref<1x5x128xi32, #tpu.memory_space<hbm>>
      %dma_wait3A_112 = tpu.memref_squeeze %dma_wait3A_111 : memref<1x5x128xi32, #tpu.memory_space<hbm>> -> memref<5x128xi32, #tpu.memory_space<hbm>>
      %dma_wait3A_113 = arith.constant 0 : i32
      %dma_wait3A_114 = arith.constant 0 : i32
      %dma_wait3A_115 = tpu.memref_slice %arg3[%add3A, %dma_wait3A_113, %dma_wait3A_114] : memref<32x5x128xi32, #tpu.memory_space<hbm>> -> memref<1x5x128xi32, #tpu.memory_space<hbm>>
      %dma_wait3A_116 = tpu.memref_squeeze %dma_wait3A_115 : memref<1x5x128xi32, #tpu.memory_space<hbm>> -> memref<5x128xi32, #tpu.memory_space<hbm>>
      tpu.wait_dma2 semaphore(%run_scoped3A : memref<!tpu.dma_semaphore, #tpu.memory_space<semaphore_mem>>) src(%dma_wait3A_116 : memref<5x128xi32, #tpu.memory_space<hbm>>) dst(%arg5 : memref<5x128xi32, #tpu.memory_space<vmem>>)
      tpu.yield
    }) : () -> ()
    %dma_start3A = arith.constant 0 : i32
    %dma_start3A_1 = arith.constant 0 : i32
    %dma_start3A_2 = arith.constant 0 : i32
    %dma_start3A_3 = tpu.memref_slice %arg6[%dma_start3A_1, %dma_start3A_2] : memref<640x16xf32, #tpu.memory_space<vmem>> -> memref<128x16xf32, #tpu.memory_space<vmem>>
    %dma_start3A_4 = arith.constant 0 : i32
    %dma_start3A_5 = tpu.memref_slice %arg5[%dma_start3A, %dma_start3A_4] : memref<5x128xi32, #tpu.memory_space<vmem>> -> memref<1x128xi32, #tpu.memory_space<vmem>>
    %dma_start3A_6 = tpu.memref_squeeze %dma_start3A_5 : memref<1x128xi32, #tpu.memory_space<vmem>> -> memref<128xi32, #tpu.memory_space<vmem>>
    %dma_start3A_7 = arith.constant 0 : i32
    %dma_start3A_8 = arith.constant 0 : i32
    %dma_start3A_9 = tpu.memref_slice %arg2[%dma_start3A_7, %dma_start3A_8] : memref<20001x16xf32, #tpu.memory_space<hbm>> -> memref<20001x16xf32, #tpu.memory_space<hbm>>
    tpu.enqueue_indirect_dma source(%dma_start3A_9 : memref<20001x16xf32, #tpu.memory_space<hbm>>) target(%dma_start3A_3 : memref<128x16xf32, #tpu.memory_space<vmem>>) offsets(%dma_start3A_6 : memref<128xi32, #tpu.memory_space<vmem>>) semaphore(%arg7 : memref<!tpu.dma_semaphore, #tpu.memory_space<semaphore_mem>>)
    %dma_start3A_10 = arith.constant 1 : i32
    %dma_start3A_11 = arith.constant 128 : i32
    %dma_start3A_12 = arith.constant 0 : i32
    %dma_start3A_13 = tpu.memref_slice %arg6[%dma_start3A_11, %dma_start3A_12] : memref<640x16xf32, #tpu.memory_space<vmem>> -> memref<128x16xf32, #tpu.memory_space<vmem>>
    %dma_start3A_14 = arith.constant 0 : i32
    %dma_start3A_15 = tpu.memref_slice %arg5[%dma_start3A_10, %dma_start3A_14] : memref<5x128xi32, #tpu.memory_space<vmem>> -> memref<1x128xi32, #tpu.memory_space<vmem>>
    %dma_start3A_16 = tpu.memref_squeeze %dma_start3A_15 : memref<1x128xi32, #tpu.memory_space<vmem>> -> memref<128xi32, #tpu.memory_space<vmem>>
    %dma_start3A_17 = arith.constant 0 : i32
    %dma_start3A_18 = arith.constant 0 : i32
    %dma_start3A_19 = tpu.memref_slice %arg2[%dma_start3A_17, %dma_start3A_18] : memref<20001x16xf32, #tpu.memory_space<hbm>> -> memref<20001x16xf32, #tpu.memory_space<hbm>>
    tpu.enqueue_indirect_dma source(%dma_start3A_19 : memref<20001x16xf32, #tpu.memory_space<hbm>>) target(%dma_start3A_13 : memref<128x16xf32, #tpu.memory_space<vmem>>) offsets(%dma_start3A_16 : memref<128xi32, #tpu.memory_space<vmem>>) semaphore(%arg7 : memref<!tpu.dma_semaphore, #tpu.memory_space<semaphore_mem>>)
    %dma_start3A_20 = arith.constant 2 : i32
    %dma_start3A_21 = arith.constant 256 : i32
    %dma_start3A_22 = arith.constant 0 : i32
    %dma_start3A_23 = tpu.memref_slice %arg6[%dma_start3A_21, %dma_start3A_22] : memref<640x16xf32, #tpu.memory_space<vmem>> -> memref<128x16xf32, #tpu.memory_space<vmem>>
    %dma_start3A_24 = arith.constant 0 : i32
    %dma_start3A_25 = tpu.memref_slice %arg5[%dma_start3A_20, %dma_start3A_24] : memref<5x128xi32, #tpu.memory_space<vmem>> -> memref<1x128xi32, #tpu.memory_space<vmem>>
    %dma_start3A_26 = tpu.memref_squeeze %dma_start3A_25 : memref<1x128xi32, #tpu.memory_space<vmem>> -> memref<128xi32, #tpu.memory_space<vmem>>
    %dma_start3A_27 = arith.constant 0 : i32
    %dma_start3A_28 = arith.constant 0 : i32
    %dma_start3A_29 = tpu.memref_slice %arg2[%dma_start3A_27, %dma_start3A_28] : memref<20001x16xf32, #tpu.memory_space<hbm>> -> memref<20001x16xf32, #tpu.memory_space<hbm>>
    tpu.enqueue_indirect_dma source(%dma_start3A_29 : memref<20001x16xf32, #tpu.memory_space<hbm>>) target(%dma_start3A_23 : memref<128x16xf32, #tpu.memory_space<vmem>>) offsets(%dma_start3A_26 : memref<128xi32, #tpu.memory_space<vmem>>) semaphore(%arg7 : memref<!tpu.dma_semaphore, #tpu.memory_space<semaphore_mem>>)
    %dma_start3A_30 = arith.constant 3 : i32
    %dma_start3A_31 = arith.constant 384 : i32
    %dma_start3A_32 = arith.constant 0 : i32
    %dma_start3A_33 = tpu.memref_slice %arg6[%dma_start3A_31, %dma_start3A_32] : memref<640x16xf32, #tpu.memory_space<vmem>> -> memref<128x16xf32, #tpu.memory_space<vmem>>
    %dma_start3A_34 = arith.constant 0 : i32
    %dma_start3A_35 = tpu.memref_slice %arg5[%dma_start3A_30, %dma_start3A_34] : memref<5x128xi32, #tpu.memory_space<vmem>> -> memref<1x128xi32, #tpu.memory_space<vmem>>
    %dma_start3A_36 = tpu.memref_squeeze %dma_start3A_35 : memref<1x128xi32, #tpu.memory_space<vmem>> -> memref<128xi32, #tpu.memory_space<vmem>>
    %dma_start3A_37 = arith.constant 0 : i32
    %dma_start3A_38 = arith.constant 0 : i32
    %dma_start3A_39 = tpu.memref_slice %arg2[%dma_start3A_37, %dma_start3A_38] : memref<20001x16xf32, #tpu.memory_space<hbm>> -> memref<20001x16xf32, #tpu.memory_space<hbm>>
    tpu.enqueue_indirect_dma source(%dma_start3A_39 : memref<20001x16xf32, #tpu.memory_space<hbm>>) target(%dma_start3A_33 : memref<128x16xf32, #tpu.memory_space<vmem>>) offsets(%dma_start3A_36 : memref<128xi32, #tpu.memory_space<vmem>>) semaphore(%arg7 : memref<!tpu.dma_semaphore, #tpu.memory_space<semaphore_mem>>)
    %dma_start3A_40 = arith.constant 4 : i32
    %dma_start3A_41 = arith.constant 512 : i32
    %dma_start3A_42 = arith.constant 0 : i32
    %dma_start3A_43 = tpu.memref_slice %arg6[%dma_start3A_41, %dma_start3A_42] : memref<640x16xf32, #tpu.memory_space<vmem>> -> memref<128x16xf32, #tpu.memory_space<vmem>>
    %dma_start3A_44 = arith.constant 0 : i32
    %dma_start3A_45 = tpu.memref_slice %arg5[%dma_start3A_40, %dma_start3A_44] : memref<5x128xi32, #tpu.memory_space<vmem>> -> memref<1x128xi32, #tpu.memory_space<vmem>>
    %dma_start3A_46 = tpu.memref_squeeze %dma_start3A_45 : memref<1x128xi32, #tpu.memory_space<vmem>> -> memref<128xi32, #tpu.memory_space<vmem>>
    %dma_start3A_47 = arith.constant 0 : i32
    %dma_start3A_48 = arith.constant 0 : i32
    %dma_start3A_49 = tpu.memref_slice %arg2[%dma_start3A_47, %dma_start3A_48] : memref<20001x16xf32, #tpu.memory_space<hbm>> -> memref<20001x16xf32, #tpu.memory_space<hbm>>
    tpu.enqueue_indirect_dma source(%dma_start3A_49 : memref<20001x16xf32, #tpu.memory_space<hbm>>) target(%dma_start3A_43 : memref<128x16xf32, #tpu.memory_space<vmem>>) offsets(%dma_start3A_46 : memref<128xi32, #tpu.memory_space<vmem>>) semaphore(%arg7 : memref<!tpu.dma_semaphore, #tpu.memory_space<semaphore_mem>>)
    %dma_wait3A = arith.constant 0 : i32
    %dma_wait3A_50 = arith.constant 0 : i32
    %dma_wait3A_51 = arith.constant 0 : i32
    %dma_wait3A_52 = tpu.memref_slice %arg6[%dma_wait3A_50, %dma_wait3A_51] : memref<640x16xf32, #tpu.memory_space<vmem>> -> memref<128x16xf32, #tpu.memory_space<vmem>>
    %dma_wait3A_53 = arith.constant 0 : i32
    %dma_wait3A_54 = tpu.memref_slice %arg5[%dma_wait3A, %dma_wait3A_53] : memref<5x128xi32, #tpu.memory_space<vmem>> -> memref<1x128xi32, #tpu.memory_space<vmem>>
    %dma_wait3A_55 = tpu.memref_squeeze %dma_wait3A_54 : memref<1x128xi32, #tpu.memory_space<vmem>> -> memref<128xi32, #tpu.memory_space<vmem>>
    %dma_wait3A_56 = arith.constant 0 : i32
    %dma_wait3A_57 = arith.constant 0 : i32
    %dma_wait3A_58 = tpu.memref_slice %arg2[%dma_wait3A_56, %dma_wait3A_57] : memref<20001x16xf32, #tpu.memory_space<hbm>> -> memref<20001x16xf32, #tpu.memory_space<hbm>>
    tpu.wait_indirect_dma semaphore(%arg7 : memref<!tpu.dma_semaphore, #tpu.memory_space<semaphore_mem>>) src(%dma_wait3A_58 : memref<20001x16xf32, #tpu.memory_space<hbm>>) dst(%dma_wait3A_52 : memref<128x16xf32, #tpu.memory_space<vmem>>)
    %dma_wait3A_59 = arith.constant 1 : i32
    %dma_wait3A_60 = arith.constant 128 : i32
    %dma_wait3A_61 = arith.constant 0 : i32
    %dma_wait3A_62 = tpu.memref_slice %arg6[%dma_wait3A_60, %dma_wait3A_61] : memref<640x16xf32, #tpu.memory_space<vmem>> -> memref<128x16xf32, #tpu.memory_space<vmem>>
    %dma_wait3A_63 = arith.constant 0 : i32
    %dma_wait3A_64 = tpu.memref_slice %arg5[%dma_wait3A_59, %dma_wait3A_63] : memref<5x128xi32, #tpu.memory_space<vmem>> -> memref<1x128xi32, #tpu.memory_space<vmem>>
    %dma_wait3A_65 = tpu.memref_squeeze %dma_wait3A_64 : memref<1x128xi32, #tpu.memory_space<vmem>> -> memref<128xi32, #tpu.memory_space<vmem>>
    %dma_wait3A_66 = arith.constant 0 : i32
    %dma_wait3A_67 = arith.constant 0 : i32
    %dma_wait3A_68 = tpu.memref_slice %arg2[%dma_wait3A_66, %dma_wait3A_67] : memref<20001x16xf32, #tpu.memory_space<hbm>> -> memref<20001x16xf32, #tpu.memory_space<hbm>>
    tpu.wait_indirect_dma semaphore(%arg7 : memref<!tpu.dma_semaphore, #tpu.memory_space<semaphore_mem>>) src(%dma_wait3A_68 : memref<20001x16xf32, #tpu.memory_space<hbm>>) dst(%dma_wait3A_62 : memref<128x16xf32, #tpu.memory_space<vmem>>)
    %dma_wait3A_69 = arith.constant 2 : i32
    %dma_wait3A_70 = arith.constant 256 : i32
    %dma_wait3A_71 = arith.constant 0 : i32
    %dma_wait3A_72 = tpu.memref_slice %arg6[%dma_wait3A_70, %dma_wait3A_71] : memref<640x16xf32, #tpu.memory_space<vmem>> -> memref<128x16xf32, #tpu.memory_space<vmem>>
    %dma_wait3A_73 = arith.constant 0 : i32
    %dma_wait3A_74 = tpu.memref_slice %arg5[%dma_wait3A_69, %dma_wait3A_73] : memref<5x128xi32, #tpu.memory_space<vmem>> -> memref<1x128xi32, #tpu.memory_space<vmem>>
    %dma_wait3A_75 = tpu.memref_squeeze %dma_wait3A_74 : memref<1x128xi32, #tpu.memory_space<vmem>> -> memref<128xi32, #tpu.memory_space<vmem>>
    %dma_wait3A_76 = arith.constant 0 : i32
    %dma_wait3A_77 = arith.constant 0 : i32
    %dma_wait3A_78 = tpu.memref_slice %arg2[%dma_wait3A_76, %dma_wait3A_77] : memref<20001x16xf32, #tpu.memory_space<hbm>> -> memref<20001x16xf32, #tpu.memory_space<hbm>>
    tpu.wait_indirect_dma semaphore(%arg7 : memref<!tpu.dma_semaphore, #tpu.memory_space<semaphore_mem>>) src(%dma_wait3A_78 : memref<20001x16xf32, #tpu.memory_space<hbm>>) dst(%dma_wait3A_72 : memref<128x16xf32, #tpu.memory_space<vmem>>)
    %dma_wait3A_79 = arith.constant 3 : i32
    %dma_wait3A_80 = arith.constant 384 : i32
    %dma_wait3A_81 = arith.constant 0 : i32
    %dma_wait3A_82 = tpu.memref_slice %arg6[%dma_wait3A_80, %dma_wait3A_81] : memref<640x16xf32, #tpu.memory_space<vmem>> -> memref<128x16xf32, #tpu.memory_space<vmem>>
    %dma_wait3A_83 = arith.constant 0 : i32
    %dma_wait3A_84 = tpu.memref_slice %arg5[%dma_wait3A_79, %dma_wait3A_83] : memref<5x128xi32, #tpu.memory_space<vmem>> -> memref<1x128xi32, #tpu.memory_space<vmem>>
    %dma_wait3A_85 = tpu.memref_squeeze %dma_wait3A_84 : memref<1x128xi32, #tpu.memory_space<vmem>> -> memref<128xi32, #tpu.memory_space<vmem>>
    %dma_wait3A_86 = arith.constant 0 : i32
    %dma_wait3A_87 = arith.constant 0 : i32
    %dma_wait3A_88 = tpu.memref_slice %arg2[%dma_wait3A_86, %dma_wait3A_87] : memref<20001x16xf32, #tpu.memory_space<hbm>> -> memref<20001x16xf32, #tpu.memory_space<hbm>>
    tpu.wait_indirect_dma semaphore(%arg7 : memref<!tpu.dma_semaphore, #tpu.memory_space<semaphore_mem>>) src(%dma_wait3A_88 : memref<20001x16xf32, #tpu.memory_space<hbm>>) dst(%dma_wait3A_82 : memref<128x16xf32, #tpu.memory_space<vmem>>)
    %dma_wait3A_89 = arith.constant 4 : i32
    %dma_wait3A_90 = arith.constant 512 : i32
    %dma_wait3A_91 = arith.constant 0 : i32
    %dma_wait3A_92 = tpu.memref_slice %arg6[%dma_wait3A_90, %dma_wait3A_91] : memref<640x16xf32, #tpu.memory_space<vmem>> -> memref<128x16xf32, #tpu.memory_space<vmem>>
    %dma_wait3A_93 = arith.constant 0 : i32
    %dma_wait3A_94 = tpu.memref_slice %arg5[%dma_wait3A_89, %dma_wait3A_93] : memref<5x128xi32, #tpu.memory_space<vmem>> -> memref<1x128xi32, #tpu.memory_space<vmem>>
    %dma_wait3A_95 = tpu.memref_squeeze %dma_wait3A_94 : memref<1x128xi32, #tpu.memory_space<vmem>> -> memref<128xi32, #tpu.memory_space<vmem>>
    %dma_wait3A_96 = arith.constant 0 : i32
    %dma_wait3A_97 = arith.constant 0 : i32
    %dma_wait3A_98 = tpu.memref_slice %arg2[%dma_wait3A_96, %dma_wait3A_97] : memref<20001x16xf32, #tpu.memory_space<hbm>> -> memref<20001x16xf32, #tpu.memory_space<hbm>>
    tpu.wait_indirect_dma semaphore(%arg7 : memref<!tpu.dma_semaphore, #tpu.memory_space<semaphore_mem>>) src(%dma_wait3A_98 : memref<20001x16xf32, #tpu.memory_space<hbm>>) dst(%dma_wait3A_92 : memref<128x16xf32, #tpu.memory_space<vmem>>)
    %mul3A_99 = arith.constant 640 : i32
    %mul3A_100 = arith.muli %add3A, %mul3A_99 : i32
    "tpu.region"() ({
      %run_scoped3A = tpu.sem_alloc : memref<!tpu.dma_semaphore, #tpu.memory_space<semaphore_mem>>
      %dma_start3A_101 = arith.constant 0 : i32
      %dma_start3A_102 = tpu.memref_slice %arg4[%mul3A_100, %dma_start3A_101] : memref<20480x16xf32, #tpu.memory_space<hbm>> -> memref<640x16xf32, #tpu.memory_space<hbm>>
      %dma_start3A_103 = arith.constant 0 : i32
      %dma_start3A_104 = tpu.memref_slice %arg4[%mul3A_100, %dma_start3A_103] : memref<20480x16xf32, #tpu.memory_space<hbm>> -> memref<640x16xf32, #tpu.memory_space<hbm>>
      tpu.enqueue_dma source(%arg6 : memref<640x16xf32, #tpu.memory_space<vmem>>) target(%dma_start3A_104 : memref<640x16xf32, #tpu.memory_space<hbm>>) target_semaphore(%run_scoped3A : memref<!tpu.dma_semaphore, #tpu.memory_space<semaphore_mem>>)
      %dma_wait3A_105 = arith.constant 0 : i32
      %dma_wait3A_106 = tpu.memref_slice %arg4[%mul3A_100, %dma_wait3A_105] : memref<20480x16xf32, #tpu.memory_space<hbm>> -> memref<640x16xf32, #tpu.memory_space<hbm>>
      %dma_wait3A_107 = arith.constant 0 : i32
      %dma_wait3A_108 = tpu.memref_slice %arg4[%mul3A_100, %dma_wait3A_107] : memref<20480x16xf32, #tpu.memory_space<hbm>> -> memref<640x16xf32, #tpu.memory_space<hbm>>
      tpu.wait_dma2 semaphore(%run_scoped3A : memref<!tpu.dma_semaphore, #tpu.memory_space<semaphore_mem>>) src(%arg6 : memref<640x16xf32, #tpu.memory_space<vmem>>) dst(%dma_wait3A_108 : memref<640x16xf32, #tpu.memory_space<hbm>>)
      tpu.yield
    }) : () -> ()
    return
  }
}

module attributes {stable_mosaic.version = 14 : i64} {
  func.func @_nms_body(%arg0: memref<80x256xf32, #tpu.memory_space<vmem>>, %arg1: memref<80x256xf32, #tpu.memory_space<vmem>>, %arg2: memref<80x256xf32, #tpu.memory_space<vmem>>, %arg3: memref<80x256xf32, #tpu.memory_space<vmem>>, %arg4: memref<80x256xf32, #tpu.memory_space<vmem>>, %arg5: memref<256x256xf32, #tpu.memory_space<vmem>>, %arg6: memref<256x256xf32, #tpu.memory_space<vmem>>, %arg7: memref<80x256xf32, #tpu.memory_space<vmem>>) attributes {dimension_semantics = [], scalar_prefetch = 0 : i64, scratch_operands = 3 : i64, tpu.core_type = #tpu.core_type<tc>} {
    %broadcast_in_dim3A = arith.constant 1.000000e+00 : f32
    %broadcast_in_dim3A_0 = vector.broadcast %broadcast_in_dim3A : f32 to vector<80x256xf32>
    %swap3A = arith.constant 0 : index
    %swap3A_1 = arith.constant 0 : index
    %swap3A_2 = vector.load %arg4[%swap3A, %swap3A_1] : memref<80x256xf32, #tpu.memory_space<vmem>>, vector<80x256xf32>
    tpu.vector_store %arg4[%swap3A, %swap3A_1], %broadcast_in_dim3A_0 {strides = array<i32>} : memref<80x256xf32, #tpu.memory_space<vmem>>, vector<80x256xf32>,
    %get3A = arith.constant 0 : index
    %get3A_3 = arith.constant 0 : index
    %get3A_4 = vector.load %arg2[%get3A, %get3A_3] : memref<80x256xf32, #tpu.memory_space<vmem>>, vector<80x256xf32>
    %get3A_5 = arith.constant 0 : index
    %get3A_6 = arith.constant 0 : index
    %get3A_7 = vector.load %arg0[%get3A_5, %get3A_6] : memref<80x256xf32, #tpu.memory_space<vmem>>, vector<80x256xf32>
    %sub3A = arith.subf %get3A_4, %get3A_7 : vector<80x256xf32>
    %add3A = arith.constant 1.000000e+00 : f32
    %add3A_8 = vector.broadcast %add3A : f32 to vector<80x256xf32>
    %add3A_9 = arith.addf %sub3A, %add3A_8 : vector<80x256xf32>
    %get3A_10 = arith.constant 0 : index
    %get3A_11 = arith.constant 0 : index
    %get3A_12 = vector.load %arg3[%get3A_10, %get3A_11] : memref<80x256xf32, #tpu.memory_space<vmem>>, vector<80x256xf32>
    %get3A_13 = arith.constant 0 : index
    %get3A_14 = arith.constant 0 : index
    %get3A_15 = vector.load %arg1[%get3A_13, %get3A_14] : memref<80x256xf32, #tpu.memory_space<vmem>>, vector<80x256xf32>
    %sub3A_16 = arith.subf %get3A_12, %get3A_15 : vector<80x256xf32>
    %add3A_17 = arith.constant 1.000000e+00 : f32
    %add3A_18 = vector.broadcast %add3A_17 : f32 to vector<80x256xf32>
    %add3A_19 = arith.addf %sub3A_16, %add3A_18 : vector<80x256xf32>
    %mul3A = arith.mulf %add3A_9, %add3A_19 : vector<80x256xf32>
    %swap3A_20 = arith.constant 0 : index
    %swap3A_21 = arith.constant 0 : index
    %swap3A_22 = vector.load %arg7[%swap3A_20, %swap3A_21] : memref<80x256xf32, #tpu.memory_space<vmem>>, vector<80x256xf32>
    tpu.vector_store %arg7[%swap3A_20, %swap3A_21], %mul3A {strides = array<i32>} : memref<80x256xf32, #tpu.memory_space<vmem>>, vector<80x256xf32>,
    %iota3A = tpu.iota {dimensions = array<i32: 0>} : vector<256x256xi32>
    %iota3A_23 = tpu.iota {dimensions = array<i32: 1>} : vector<256x256xi32>
    %eq3A = arith.cmpi eq, %iota3A, %iota3A_23 : vector<256x256xi32>
    %jit3A = arith.constant 1.000000e+00 : f32
    %jit3A_24 = arith.constant 0.000000e+00 : f32
    %broadcast_in_dim3A_25 = vector.broadcast %jit3A : f32 to vector<256x256xf32>
    %broadcast_in_dim3A_26 = vector.broadcast %jit3A_24 : f32 to vector<256x256xf32>
    %select_n3A = arith.select %eq3A, %broadcast_in_dim3A_25, %broadcast_in_dim3A_26 : vector<256x256xi1>, vector<256x256xf32>
    %swap3A_27 = arith.constant 0 : index
    %swap3A_28 = arith.constant 0 : index
    %swap3A_29 = vector.load %arg6[%swap3A_27, %swap3A_28] : memref<256x256xf32, #tpu.memory_space<vmem>>, vector<256x256xf32>
    tpu.vector_store %arg6[%swap3A_27, %swap3A_28], %select_n3A {strides = array<i32>} : memref<256x256xf32, #tpu.memory_space<vmem>>, vector<256x256xf32>,
    %lt3A = arith.cmpi slt, %iota3A, %iota3A_23 : vector<256x256xi32>
    %scan3A = arith.constant 0 : i32
    %scan3A_30 = arith.constant 80 : i32
    %scan3A_31 = arith.addi %scan3A, %scan3A_30 : i32
    %scan3A_32 = arith.constant 1 : i32
    scf.for %scan3A_34 = %scan3A to %scan3A_31 step %scan3A_32  : i32 {
      %get3A_35 = arith.index_cast %scan3A_34 : i32 to index
      %get3A_36 = arith.constant 0 : index
      %get3A_37 = vector.load %arg0[%get3A_35, %get3A_36] : memref<80x256xf32, #tpu.memory_space<vmem>>, vector<1x256xf32>
      %get3A_38 = arith.index_cast %scan3A_34 : i32 to index
      %get3A_39 = arith.constant 0 : index
      %get3A_40 = vector.load %arg1[%get3A_38, %get3A_39] : memref<80x256xf32, #tpu.memory_space<vmem>>, vector<1x256xf32>
      %get3A_41 = arith.index_cast %scan3A_34 : i32 to index
      %get3A_42 = arith.constant 0 : index
      %get3A_43 = vector.load %arg2[%get3A_41, %get3A_42] : memref<80x256xf32, #tpu.memory_space<vmem>>, vector<1x256xf32>
      %get3A_44 = arith.index_cast %scan3A_34 : i32 to index
      %get3A_45 = arith.constant 0 : index
      %get3A_46 = vector.load %arg3[%get3A_44, %get3A_45] : memref<80x256xf32, #tpu.memory_space<vmem>>, vector<1x256xf32>
      %get3A_47 = arith.index_cast %scan3A_34 : i32 to index
      %get3A_48 = arith.constant 0 : index
      %get3A_49 = vector.load %arg7[%get3A_47, %get3A_48] : memref<80x256xf32, #tpu.memory_space<vmem>>, vector<1x256xf32>
      %get3A_50 = arith.constant 0 : index
      %get3A_51 = arith.constant 0 : index
      %get3A_52 = vector.load %arg6[%get3A_50, %get3A_51] : memref<256x256xf32, #tpu.memory_space<vmem>>, vector<256x256xf32>
      %dot_general3A = arith.constant dense<0.000000e+00> : vector<256x1xf32>
      %dot_general3A_53 = tpu.matmul %get3A_52, %get3A_37, %dot_general3A {dimension_numbers = #tpu.dot_dimension_numbers<[1], [1], [0], [0], [0, 0, 1, 0], [], []>, transpose_lhs_hint = false} : vector<256x256xf32>, vector<1x256xf32>, vector<256x1xf32> -> vector<256x1xf32>
      %get3A_54 = arith.constant 0 : index
      %get3A_55 = arith.constant 0 : index
      %get3A_56 = vector.load %arg6[%get3A_54, %get3A_55] : memref<256x256xf32, #tpu.memory_space<vmem>>, vector<256x256xf32>
      %dot_general3A_57 = arith.constant dense<0.000000e+00> : vector<256x1xf32>
      %dot_general3A_58 = tpu.matmul %get3A_56, %get3A_40, %dot_general3A_57 {dimension_numbers = #tpu.dot_dimension_numbers<[1], [1], [0], [0], [0, 0, 1, 0], [], []>, transpose_lhs_hint = false} : vector<256x256xf32>, vector<1x256xf32>, vector<256x1xf32> -> vector<256x1xf32>
      %get3A_59 = arith.constant 0 : index
      %get3A_60 = arith.constant 0 : index
      %get3A_61 = vector.load %arg6[%get3A_59, %get3A_60] : memref<256x256xf32, #tpu.memory_space<vmem>>, vector<256x256xf32>
      %dot_general3A_62 = arith.constant dense<0.000000e+00> : vector<256x1xf32>
      %dot_general3A_63 = tpu.matmul %get3A_61, %get3A_43, %dot_general3A_62 {dimension_numbers = #tpu.dot_dimension_numbers<[1], [1], [0], [0], [0, 0, 1, 0], [], []>, transpose_lhs_hint = false} : vector<256x256xf32>, vector<1x256xf32>, vector<256x1xf32> -> vector<256x1xf32>
      %get3A_64 = arith.constant 0 : index
      %get3A_65 = arith.constant 0 : index
      %get3A_66 = vector.load %arg6[%get3A_64, %get3A_65] : memref<256x256xf32, #tpu.memory_space<vmem>>, vector<256x256xf32>
      %dot_general3A_67 = arith.constant dense<0.000000e+00> : vector<256x1xf32>
      %dot_general3A_68 = tpu.matmul %get3A_66, %get3A_46, %dot_general3A_67 {dimension_numbers = #tpu.dot_dimension_numbers<[1], [1], [0], [0], [0, 0, 1, 0], [], []>, transpose_lhs_hint = false} : vector<256x256xf32>, vector<1x256xf32>, vector<256x1xf32> -> vector<256x1xf32>
      %get3A_69 = arith.constant 0 : index
      %get3A_70 = arith.constant 0 : index
      %get3A_71 = vector.load %arg6[%get3A_69, %get3A_70] : memref<256x256xf32, #tpu.memory_space<vmem>>, vector<256x256xf32>
      %dot_general3A_72 = arith.constant dense<0.000000e+00> : vector<256x1xf32>
      %dot_general3A_73 = tpu.matmul %get3A_71, %get3A_49, %dot_general3A_72 {dimension_numbers = #tpu.dot_dimension_numbers<[1], [1], [0], [0], [0, 0, 1, 0], [], []>, transpose_lhs_hint = false} : vector<256x256xf32>, vector<1x256xf32>, vector<256x1xf32> -> vector<256x1xf32>
      %max3A = vector.broadcast %dot_general3A_53 : vector<256x1xf32> to vector<256x256xf32>
      %max3A_74 = vector.broadcast %get3A_37 : vector<1x256xf32> to vector<256x256xf32>
      %max3A_75 = arith.maximumf %max3A, %max3A_74 : vector<256x256xf32>
      %max3A_76 = vector.broadcast %dot_general3A_58 : vector<256x1xf32> to vector<256x256xf32>
      %max3A_77 = vector.broadcast %get3A_40 : vector<1x256xf32> to vector<256x256xf32>
      %max3A_78 = arith.maximumf %max3A_76, %max3A_77 : vector<256x256xf32>
      %min3A = vector.broadcast %dot_general3A_63 : vector<256x1xf32> to vector<256x256xf32>
      %min3A_79 = vector.broadcast %get3A_43 : vector<1x256xf32> to vector<256x256xf32>
      %min3A_80 = arith.minimumf %min3A, %min3A_79 : vector<256x256xf32>
      %min3A_81 = vector.broadcast %dot_general3A_68 : vector<256x1xf32> to vector<256x256xf32>
      %min3A_82 = vector.broadcast %get3A_46 : vector<1x256xf32> to vector<256x256xf32>
      %min3A_83 = arith.minimumf %min3A_81, %min3A_82 : vector<256x256xf32>
      %sub3A_84 = arith.subf %min3A_80, %max3A_75 : vector<256x256xf32>
      %add3A_85 = arith.constant 1.000000e+00 : f32
      %add3A_86 = vector.broadcast %add3A_85 : f32 to vector<256x256xf32>
      %add3A_87 = arith.addf %sub3A_84, %add3A_86 : vector<256x256xf32>
      %max3A_88 = arith.constant 0.000000e+00 : f32
      %max3A_89 = vector.broadcast %max3A_88 : f32 to vector<256x256xf32>
      %max3A_90 = arith.maximumf %max3A_89, %add3A_87 : vector<256x256xf32>
      %sub3A_91 = arith.subf %min3A_83, %max3A_78 : vector<256x256xf32>
      %add3A_92 = arith.constant 1.000000e+00 : f32
      %add3A_93 = vector.broadcast %add3A_92 : f32 to vector<256x256xf32>
      %add3A_94 = arith.addf %sub3A_91, %add3A_93 : vector<256x256xf32>
      %max3A_95 = arith.constant 0.000000e+00 : f32
      %max3A_96 = vector.broadcast %max3A_95 : f32 to vector<256x256xf32>
      %max3A_97 = arith.maximumf %max3A_96, %add3A_94 : vector<256x256xf32>
      %mul3A_98 = arith.mulf %max3A_90, %max3A_97 : vector<256x256xf32>
      %add3A_99 = vector.broadcast %dot_general3A_73 : vector<256x1xf32> to vector<256x256xf32>
      %add3A_100 = vector.broadcast %get3A_49 : vector<1x256xf32> to vector<256x256xf32>
      %add3A_101 = arith.addf %add3A_99, %add3A_100 : vector<256x256xf32>
      %sub3A_102 = arith.subf %add3A_101, %mul3A_98 : vector<256x256xf32>
      %div3A = arith.divf %mul3A_98, %sub3A_102 : vector<256x256xf32>
      %gt3A = arith.constant 6.000000e-01 : f32
      %gt3A_103 = vector.broadcast %gt3A : f32 to vector<256x256xf32>
      %gt3A_104 = arith.cmpf ogt, %div3A, %gt3A_103 : vector<256x256xf32>
      %and3A = arith.andi %gt3A_104, %lt3A : vector<256x256xi1>
      %jit3A_105 = arith.constant 1.000000e+00 : f32
      %jit3A_106 = arith.constant 0.000000e+00 : f32
      %broadcast_in_dim3A_107 = vector.broadcast %jit3A_105 : f32 to vector<256x256xf32>
      %broadcast_in_dim3A_108 = vector.broadcast %jit3A_106 : f32 to vector<256x256xf32>
      %select_n3A_109 = arith.select %and3A, %broadcast_in_dim3A_107, %broadcast_in_dim3A_108 : vector<256x256xi1>, vector<256x256xf32>
      %swap3A_110 = arith.constant 0 : index
      %swap3A_111 = arith.constant 0 : index
      %swap3A_112 = vector.load %arg5[%swap3A_110, %swap3A_111] : memref<256x256xf32, #tpu.memory_space<vmem>>, vector<256x256xf32>
      tpu.vector_store %arg5[%swap3A_110, %swap3A_111], %select_n3A_109 {strides = array<i32>} : memref<256x256xf32, #tpu.memory_space<vmem>>, vector<256x256xf32>,
      %get3A_113 = arith.index_cast %scan3A_34 : i32 to index
      %get3A_114 = arith.constant 0 : index
      %get3A_115 = vector.load %arg4[%get3A_113, %get3A_114] : memref<80x256xf32, #tpu.memory_space<vmem>>, vector<1x256xf32>
      %broadcast_in_dim3A_116 = arith.constant 0.000000e+00 : f32
      %broadcast_in_dim3A_117 = vector.broadcast %broadcast_in_dim3A_116 : f32 to vector<1x256xf32>
      %while3A:2 = scf.while (%while3A_186 = %broadcast_in_dim3A_117, %while3A_187 = %get3A_115) : (vector<1x256xf32>, vector<1x256xf32>) -> (vector<1x256xf32>, vector<1x256xf32>) {
        %reduce_sum3A = vector.shape_cast %while3A_187 : vector<1x256xf32> to vector<1x1x256xf32>
        %reduce_sum3A_188 = arith.constant dense<0.000000e+00> : vector<1xf32>
        %reduce_sum3A_189 = vector.multi_reduction <add>, %reduce_sum3A, %reduce_sum3A_188 [1, 2] : vector<1x1x256xf32> to vector<1xf32>
        %reduce_sum3A_190 = vector.shape_cast %reduce_sum3A_189 : vector<1xf32> to vector<1x1x1xf32>
        %reduce_sum3A_191 = vector.extract %reduce_sum3A_190[0, 0, 0] : f32 from vector<1x1x1xf32>
        %gt3A_192 = arith.constant 0.000000e+00 : f32
        %gt3A_193 = arith.cmpf ogt, %reduce_sum3A_191, %gt3A_192 : f32
        scf.condition(%gt3A_193) %while3A_186, %while3A_187 : vector<1x256xf32>, vector<1x256xf32>
      } do {
      ^bb0(%while3A_186: vector<1x256xf32>, %while3A_187: vector<1x256xf32>):
        %get3A_188 = arith.constant 0 : index
        %get3A_189 = arith.constant 0 : index
        %get3A_190 = vector.load %arg6[%get3A_188, %get3A_189] : memref<256x256xf32, #tpu.memory_space<vmem>>, vector<256x256xf32>
        %dot_general3A_191 = arith.constant dense<0.000000e+00> : vector<256x1xf32>
        %dot_general3A_192 = tpu.matmul %get3A_190, %while3A_187, %dot_general3A_191 {dimension_numbers = #tpu.dot_dimension_numbers<[1], [1], [0], [0], [0, 0, 1, 0], [], []>, transpose_lhs_hint = false} : vector<256x256xf32>, vector<1x256xf32>, vector<256x1xf32> -> vector<256x1xf32>
        %get3A_193 = arith.constant 0 : index
        %get3A_194 = arith.constant 0 : index
        %get3A_195 = vector.load %arg5[%get3A_193, %get3A_194] : memref<256x256xf32, #tpu.memory_space<vmem>>, vector<256x256xf32>
        %mul3A_196 = vector.broadcast %dot_general3A_192 : vector<256x1xf32> to vector<256x256xf32>
        %mul3A_197 = arith.mulf %mul3A_196, %get3A_195 : vector<256x256xf32>
        %reduce_max3A = arith.constant dense<0xFF800000> : vector<256xf32>
        %reduce_max3A_198 = vector.multi_reduction <maximumf>, %mul3A_197, %reduce_max3A [0] : vector<256x256xf32> to vector<256xf32>
        %broadcast_in_dim3A_199 = vector.shape_cast %reduce_max3A_198 : vector<256xf32> to vector<1x256xf32>
        %sub3A_200 = arith.constant 1.000000e+00 : f32
        %sub3A_201 = vector.broadcast %sub3A_200 : f32 to vector<1x256xf32>
        %sub3A_202 = arith.subf %sub3A_201, %broadcast_in_dim3A_199 : vector<1x256xf32>
        %mul3A_203 = arith.mulf %while3A_187, %sub3A_202 : vector<1x256xf32>
        %get3A_204 = arith.constant 0 : index
        %get3A_205 = arith.constant 0 : index
        %get3A_206 = vector.load %arg6[%get3A_204, %get3A_205] : memref<256x256xf32, #tpu.memory_space<vmem>>, vector<256x256xf32>
        %dot_general3A_207 = arith.constant dense<0.000000e+00> : vector<256x1xf32>
        %dot_general3A_208 = tpu.matmul %get3A_206, %mul3A_203, %dot_general3A_207 {dimension_numbers = #tpu.dot_dimension_numbers<[1], [1], [0], [0], [0, 0, 1, 0], [], []>, transpose_lhs_hint = false} : vector<256x256xf32>, vector<1x256xf32>, vector<256x1xf32> -> vector<256x1xf32>
        %get3A_209 = arith.constant 0 : index
        %get3A_210 = arith.constant 0 : index
        %get3A_211 = vector.load %arg5[%get3A_209, %get3A_210] : memref<256x256xf32, #tpu.memory_space<vmem>>, vector<256x256xf32>
        %mul3A_212 = vector.broadcast %dot_general3A_208 : vector<256x1xf32> to vector<256x256xf32>
        %mul3A_213 = arith.mulf %mul3A_212, %get3A_211 : vector<256x256xf32>
        %reduce_max3A_214 = arith.constant dense<0xFF800000> : vector<256xf32>
        %reduce_max3A_215 = vector.multi_reduction <maximumf>, %mul3A_213, %reduce_max3A_214 [0] : vector<256x256xf32> to vector<256xf32>
        %broadcast_in_dim3A_216 = vector.shape_cast %reduce_max3A_215 : vector<256xf32> to vector<1x256xf32>
        %add3A_217 = arith.addf %while3A_186, %mul3A_203 : vector<1x256xf32>
        %sub3A_218 = arith.constant 1.000000e+00 : f32
        %sub3A_219 = vector.broadcast %sub3A_218 : f32 to vector<1x256xf32>
        %sub3A_220 = arith.subf %sub3A_219, %mul3A_203 : vector<1x256xf32>
        %mul3A_221 = arith.mulf %while3A_187, %sub3A_220 : vector<1x256xf32>
        %sub3A_222 = arith.constant 1.000000e+00 : f32
        %sub3A_223 = vector.broadcast %sub3A_222 : f32 to vector<1x256xf32>
        %sub3A_224 = arith.subf %sub3A_223, %broadcast_in_dim3A_216 : vector<1x256xf32>
        %mul3A_225 = arith.mulf %mul3A_221, %sub3A_224 : vector<1x256xf32>
        scf.yield %add3A_217, %mul3A_225 : vector<1x256xf32>, vector<1x256xf32>
      }
      %swap3A_118 = arith.index_cast %scan3A_34 : i32 to index
      %swap3A_119 = arith.constant 0 : index
      %swap3A_120 = vector.load %arg4[%swap3A_118, %swap3A_119] : memref<80x256xf32, #tpu.memory_space<vmem>>, vector<1x256xf32>
      tpu.vector_store %arg4[%swap3A_118, %swap3A_119], %while3A#0 {strides = array<i32>} : memref<80x256xf32, #tpu.memory_space<vmem>>, vector<1x256xf32>,
      %get3A_121 = arith.constant 0 : index
      %get3A_122 = arith.constant 0 : index
      %get3A_123 = vector.load %arg6[%get3A_121, %get3A_122] : memref<256x256xf32, #tpu.memory_space<vmem>>, vector<256x256xf32>
      %dot_general3A_124 = arith.constant dense<0.000000e+00> : vector<256x1xf32>
      %dot_general3A_125 = tpu.matmul %get3A_123, %while3A#0, %dot_general3A_124 {dimension_numbers = #tpu.dot_dimension_numbers<[1], [1], [0], [0], [0, 0, 1, 0], [], []>, transpose_lhs_hint = false} : vector<256x256xf32>, vector<1x256xf32>, vector<256x1xf32> -> vector<256x1xf32>
      %gt3A_126 = arith.constant 0.000000e+00 : f32
      %gt3A_127 = vector.broadcast %gt3A_126 : f32 to vector<256x1xf32>
      %gt3A_128 = arith.cmpf ogt, %dot_general3A_125, %gt3A_127 : vector<256x1xf32>
      %jit3A_129 = arith.constant 1.000000e+30 : f32
      %broadcast_in_dim3A_130 = vector.broadcast %jit3A_129 : f32 to vector<256x1xf32>
      %select_n3A_131 = arith.select %gt3A_128, %dot_general3A_53, %broadcast_in_dim3A_130 : vector<256x1xi1>, vector<256x1xf32>
      %sub3A_132 = arith.constant 80 : i32
      %sub3A_133 = arith.subi %sub3A_132, %scan3A_34 : i32
      %sub3A_134 = arith.constant 1 : i32
      %sub3A_135 = arith.subi %sub3A_133, %sub3A_134 : i32
      %jit3A_136 = arith.constant 2 : i32
      %div3A_137 = arith.divsi %sub3A_135, %jit3A_136 : i32
      %sign3A = arith.constant 0 : i32
      %sign3A_138 = arith.cmpi sgt, %sub3A_135, %sign3A : i32
      %sign3A_139 = arith.extui %sign3A_138 : i1 to i32
      %sign3A_140 = arith.constant 0 : i32
      %sign3A_141 = arith.cmpi slt, %sub3A_135, %sign3A_140 : i32
      %sign3A_142 = arith.extui %sign3A_141 : i1 to i32
      %sign3A_143 = arith.subi %sign3A_139, %sign3A_142 : i32
      %sign3A_144 = arith.constant 0 : i32
      %sign3A_145 = arith.cmpi sgt, %jit3A_136, %sign3A_144 : i32
      %sign3A_146 = arith.extui %sign3A_145 : i1 to i32
      %sign3A_147 = arith.constant 0 : i32
      %sign3A_148 = arith.cmpi slt, %jit3A_136, %sign3A_147 : i32
      %sign3A_149 = arith.extui %sign3A_148 : i1 to i32
      %sign3A_150 = arith.subi %sign3A_146, %sign3A_149 : i32
      %ne3A = arith.cmpi ne, %sign3A_143, %sign3A_150 : i32
      %rem3A = arith.remsi %sub3A_135, %jit3A_136 : i32
      %ne3A_151 = arith.constant 0 : i32
      %ne3A_152 = arith.cmpi ne, %rem3A, %ne3A_151 : i32
      %and3A_153 = arith.andi %ne3A, %ne3A_152 : i1
      %sub3A_154 = arith.constant 1 : i32
      %sub3A_155 = arith.subi %div3A_137, %sub3A_154 : i32
      %select_n3A_156 = arith.select %and3A_153, %sub3A_155, %div3A_137 : i32
      %while3A_157 = arith.constant 0 : i32
      %while3A_158 = arith.constant 0 : i32
      %while3A_159 = arith.subi %select_n3A_156, %while3A_158 : i32
      %while3A_160 = arith.addi %while3A_158, %while3A_159 : i32
      %while3A_161 = arith.constant 1 : i32
      %while3A_162 = arith.divsi %while3A_159, %while3A_161 : i32
      %while3A_163 = arith.muli %while3A_162, %while3A_161 : i32
      %while3A_164 = arith.addi %while3A_158, %while3A_163 : i32
      %while3A_165 = arith.constant 1 : i32
      scf.for %while3A_186 = %while3A_158 to %while3A_164 step %while3A_165  : i32 {
        %add3A_187 = arith.constant 1 : i32
        %add3A_188 = arith.addi %scan3A_34, %add3A_187 : i32
        %mul3A_189 = arith.constant 2 : i32
        %mul3A_190 = arith.muli %mul3A_189, %while3A_186 : i32
        %add3A_191 = arith.addi %add3A_188, %mul3A_190 : i32
        %get3A_192 = arith.index_cast %add3A_191 : i32 to index
        %get3A_193 = arith.constant 0 : index
        %get3A_194 = vector.load %arg0[%get3A_192, %get3A_193] : memref<80x256xf32, #tpu.memory_space<vmem>>, vector<1x256xf32>
        %get3A_195 = arith.index_cast %add3A_191 : i32 to index
        %get3A_196 = arith.constant 0 : index
        %get3A_197 = vector.load %arg1[%get3A_195, %get3A_196] : memref<80x256xf32, #tpu.memory_space<vmem>>, vector<1x256xf32>
        %get3A_198 = arith.index_cast %add3A_191 : i32 to index
        %get3A_199 = arith.constant 0 : index
        %get3A_200 = vector.load %arg2[%get3A_198, %get3A_199] : memref<80x256xf32, #tpu.memory_space<vmem>>, vector<1x256xf32>
        %get3A_201 = arith.index_cast %add3A_191 : i32 to index
        %get3A_202 = arith.constant 0 : index
        %get3A_203 = vector.load %arg3[%get3A_201, %get3A_202] : memref<80x256xf32, #tpu.memory_space<vmem>>, vector<1x256xf32>
        %get3A_204 = arith.index_cast %add3A_191 : i32 to index
        %get3A_205 = arith.constant 0 : index
        %get3A_206 = vector.load %arg7[%get3A_204, %get3A_205] : memref<80x256xf32, #tpu.memory_space<vmem>>, vector<1x256xf32>
        %max3A_207 = vector.broadcast %select_n3A_131 : vector<256x1xf32> to vector<256x256xf32>
        %max3A_208 = vector.broadcast %get3A_194 : vector<1x256xf32> to vector<256x256xf32>
        %max3A_209 = arith.maximumf %max3A_207, %max3A_208 : vector<256x256xf32>
        %max3A_210 = vector.broadcast %dot_general3A_58 : vector<256x1xf32> to vector<256x256xf32>
        %max3A_211 = vector.broadcast %get3A_197 : vector<1x256xf32> to vector<256x256xf32>
        %max3A_212 = arith.maximumf %max3A_210, %max3A_211 : vector<256x256xf32>
        %min3A_213 = vector.broadcast %dot_general3A_63 : vector<256x1xf32> to vector<256x256xf32>
        %min3A_214 = vector.broadcast %get3A_200 : vector<1x256xf32> to vector<256x256xf32>
        %min3A_215 = arith.minimumf %min3A_213, %min3A_214 : vector<256x256xf32>
        %min3A_216 = vector.broadcast %dot_general3A_68 : vector<256x1xf32> to vector<256x256xf32>
        %min3A_217 = vector.broadcast %get3A_203 : vector<1x256xf32> to vector<256x256xf32>
        %min3A_218 = arith.minimumf %min3A_216, %min3A_217 : vector<256x256xf32>
        %sub3A_219 = arith.subf %min3A_215, %max3A_209 : vector<256x256xf32>
        %add3A_220 = arith.constant 1.000000e+00 : f32
        %add3A_221 = vector.broadcast %add3A_220 : f32 to vector<256x256xf32>
        %add3A_222 = arith.addf %sub3A_219, %add3A_221 : vector<256x256xf32>
        %max3A_223 = arith.constant 0.000000e+00 : f32
        %max3A_224 = vector.broadcast %max3A_223 : f32 to vector<256x256xf32>
        %max3A_225 = arith.maximumf %max3A_224, %add3A_222 : vector<256x256xf32>
        %sub3A_226 = arith.subf %min3A_218, %max3A_212 : vector<256x256xf32>
        %add3A_227 = arith.constant 1.000000e+00 : f32
        %add3A_228 = vector.broadcast %add3A_227 : f32 to vector<256x256xf32>
        %add3A_229 = arith.addf %sub3A_226, %add3A_228 : vector<256x256xf32>
        %max3A_230 = arith.constant 0.000000e+00 : f32
        %max3A_231 = vector.broadcast %max3A_230 : f32 to vector<256x256xf32>
        %max3A_232 = arith.maximumf %max3A_231, %add3A_229 : vector<256x256xf32>
        %mul3A_233 = arith.mulf %max3A_225, %max3A_232 : vector<256x256xf32>
        %add3A_234 = vector.broadcast %dot_general3A_73 : vector<256x1xf32> to vector<256x256xf32>
        %add3A_235 = vector.broadcast %get3A_206 : vector<1x256xf32> to vector<256x256xf32>
        %add3A_236 = arith.addf %add3A_234, %add3A_235 : vector<256x256xf32>
        %sub3A_237 = arith.subf %add3A_236, %mul3A_233 : vector<256x256xf32>
        %div3A_238 = arith.divf %mul3A_233, %sub3A_237 : vector<256x256xf32>
        %reduce_max3A = arith.constant dense<0xFF800000> : vector<256xf32>
        %reduce_max3A_239 = vector.multi_reduction <maximumf>, %div3A_238, %reduce_max3A [0] : vector<256x256xf32> to vector<256xf32>
        %broadcast_in_dim3A_240 = vector.shape_cast %reduce_max3A_239 : vector<256xf32> to vector<1x256xf32>
        %gt3A_241 = arith.constant 6.000000e-01 : f32
        %gt3A_242 = vector.broadcast %gt3A_241 : f32 to vector<1x256xf32>
        %gt3A_243 = arith.cmpf ogt, %broadcast_in_dim3A_240, %gt3A_242 : vector<1x256xf32>
        %get3A_244 = arith.index_cast %add3A_191 : i32 to index
        %get3A_245 = arith.constant 0 : index
        %get3A_246 = vector.load %arg4[%get3A_244, %get3A_245] : memref<80x256xf32, #tpu.memory_space<vmem>>, vector<1x256xf32>
        %jit3A_247 = arith.constant 0.000000e+00 : f32
        %broadcast_in_dim3A_248 = vector.broadcast %jit3A_247 : f32 to vector<1x256xf32>
        %select_n3A_249 = arith.select %gt3A_243, %broadcast_in_dim3A_248, %get3A_246 : vector<1x256xi1>, vector<1x256xf32>
        %swap3A_250 = arith.index_cast %add3A_191 : i32 to index
        %swap3A_251 = arith.constant 0 : index
        %swap3A_252 = vector.load %arg4[%swap3A_250, %swap3A_251] : memref<80x256xf32, #tpu.memory_space<vmem>>, vector<1x256xf32>
        tpu.vector_store %arg4[%swap3A_250, %swap3A_251], %select_n3A_249 {strides = array<i32>} : memref<80x256xf32, #tpu.memory_space<vmem>>, vector<1x256xf32>,
        %add3A_253 = arith.constant 1 : i32
        %add3A_254 = arith.addi %add3A_191, %add3A_253 : i32
        %get3A_255 = arith.index_cast %add3A_254 : i32 to index
        %get3A_256 = arith.constant 0 : index
        %get3A_257 = vector.load %arg0[%get3A_255, %get3A_256] : memref<80x256xf32, #tpu.memory_space<vmem>>, vector<1x256xf32>
        %get3A_258 = arith.index_cast %add3A_254 : i32 to index
        %get3A_259 = arith.constant 0 : index
        %get3A_260 = vector.load %arg1[%get3A_258, %get3A_259] : memref<80x256xf32, #tpu.memory_space<vmem>>, vector<1x256xf32>
        %get3A_261 = arith.index_cast %add3A_254 : i32 to index
        %get3A_262 = arith.constant 0 : index
        %get3A_263 = vector.load %arg2[%get3A_261, %get3A_262] : memref<80x256xf32, #tpu.memory_space<vmem>>, vector<1x256xf32>
        %get3A_264 = arith.index_cast %add3A_254 : i32 to index
        %get3A_265 = arith.constant 0 : index
        %get3A_266 = vector.load %arg3[%get3A_264, %get3A_265] : memref<80x256xf32, #tpu.memory_space<vmem>>, vector<1x256xf32>
        %get3A_267 = arith.index_cast %add3A_254 : i32 to index
        %get3A_268 = arith.constant 0 : index
        %get3A_269 = vector.load %arg7[%get3A_267, %get3A_268] : memref<80x256xf32, #tpu.memory_space<vmem>>, vector<1x256xf32>
        %max3A_270 = vector.broadcast %select_n3A_131 : vector<256x1xf32> to vector<256x256xf32>
        %max3A_271 = vector.broadcast %get3A_257 : vector<1x256xf32> to vector<256x256xf32>
        %max3A_272 = arith.maximumf %max3A_270, %max3A_271 : vector<256x256xf32>
        %max3A_273 = vector.broadcast %dot_general3A_58 : vector<256x1xf32> to vector<256x256xf32>
        %max3A_274 = vector.broadcast %get3A_260 : vector<1x256xf32> to vector<256x256xf32>
        %max3A_275 = arith.maximumf %max3A_273, %max3A_274 : vector<256x256xf32>
        %min3A_276 = vector.broadcast %dot_general3A_63 : vector<256x1xf32> to vector<256x256xf32>
        %min3A_277 = vector.broadcast %get3A_263 : vector<1x256xf32> to vector<256x256xf32>
        %min3A_278 = arith.minimumf %min3A_276, %min3A_277 : vector<256x256xf32>
        %min3A_279 = vector.broadcast %dot_general3A_68 : vector<256x1xf32> to vector<256x256xf32>
        %min3A_280 = vector.broadcast %get3A_266 : vector<1x256xf32> to vector<256x256xf32>
        %min3A_281 = arith.minimumf %min3A_279, %min3A_280 : vector<256x256xf32>
        %sub3A_282 = arith.subf %min3A_278, %max3A_272 : vector<256x256xf32>
        %add3A_283 = arith.constant 1.000000e+00 : f32
        %add3A_284 = vector.broadcast %add3A_283 : f32 to vector<256x256xf32>
        %add3A_285 = arith.addf %sub3A_282, %add3A_284 : vector<256x256xf32>
        %max3A_286 = arith.constant 0.000000e+00 : f32
        %max3A_287 = vector.broadcast %max3A_286 : f32 to vector<256x256xf32>
        %max3A_288 = arith.maximumf %max3A_287, %add3A_285 : vector<256x256xf32>
        %sub3A_289 = arith.subf %min3A_281, %max3A_275 : vector<256x256xf32>
        %add3A_290 = arith.constant 1.000000e+00 : f32
        %add3A_291 = vector.broadcast %add3A_290 : f32 to vector<256x256xf32>
        %add3A_292 = arith.addf %sub3A_289, %add3A_291 : vector<256x256xf32>
        %max3A_293 = arith.constant 0.000000e+00 : f32
        %max3A_294 = vector.broadcast %max3A_293 : f32 to vector<256x256xf32>
        %max3A_295 = arith.maximumf %max3A_294, %add3A_292 : vector<256x256xf32>
        %mul3A_296 = arith.mulf %max3A_288, %max3A_295 : vector<256x256xf32>
        %add3A_297 = vector.broadcast %dot_general3A_73 : vector<256x1xf32> to vector<256x256xf32>
        %add3A_298 = vector.broadcast %get3A_269 : vector<1x256xf32> to vector<256x256xf32>
        %add3A_299 = arith.addf %add3A_297, %add3A_298 : vector<256x256xf32>
        %sub3A_300 = arith.subf %add3A_299, %mul3A_296 : vector<256x256xf32>
        %div3A_301 = arith.divf %mul3A_296, %sub3A_300 : vector<256x256xf32>
        %reduce_max3A_302 = arith.constant dense<0xFF800000> : vector<256xf32>
        %reduce_max3A_303 = vector.multi_reduction <maximumf>, %div3A_301, %reduce_max3A_302 [0] : vector<256x256xf32> to vector<256xf32>
        %broadcast_in_dim3A_304 = vector.shape_cast %reduce_max3A_303 : vector<256xf32> to vector<1x256xf32>
        %gt3A_305 = arith.constant 6.000000e-01 : f32
        %gt3A_306 = vector.broadcast %gt3A_305 : f32 to vector<1x256xf32>
        %gt3A_307 = arith.cmpf ogt, %broadcast_in_dim3A_304, %gt3A_306 : vector<1x256xf32>
        %get3A_308 = arith.index_cast %add3A_254 : i32 to index
        %get3A_309 = arith.constant 0 : index
        %get3A_310 = vector.load %arg4[%get3A_308, %get3A_309] : memref<80x256xf32, #tpu.memory_space<vmem>>, vector<1x256xf32>
        %jit3A_311 = arith.constant 0.000000e+00 : f32
        %broadcast_in_dim3A_312 = vector.broadcast %jit3A_311 : f32 to vector<1x256xf32>
        %select_n3A_313 = arith.select %gt3A_307, %broadcast_in_dim3A_312, %get3A_310 : vector<1x256xi1>, vector<1x256xf32>
        %swap3A_314 = arith.index_cast %add3A_254 : i32 to index
        %swap3A_315 = arith.constant 0 : index
        %swap3A_316 = vector.load %arg4[%swap3A_314, %swap3A_315] : memref<80x256xf32, #tpu.memory_space<vmem>>, vector<1x256xf32>
        tpu.vector_store %arg4[%swap3A_314, %swap3A_315], %select_n3A_313 {strides = array<i32>} : memref<80x256xf32, #tpu.memory_space<vmem>>, vector<1x256xf32>,
      }
      %while3A_166 = arith.constant 1 : i32
      scf.for %while3A_186 = %while3A_164 to %while3A_160 step %while3A_166  : i32 {
        %add3A_187 = arith.constant 1 : i32
        %add3A_188 = arith.addi %scan3A_34, %add3A_187 : i32
        %mul3A_189 = arith.constant 2 : i32
        %mul3A_190 = arith.muli %mul3A_189, %while3A_186 : i32
        %add3A_191 = arith.addi %add3A_188, %mul3A_190 : i32
        %get3A_192 = arith.index_cast %add3A_191 : i32 to index
        %get3A_193 = arith.constant 0 : index
        %get3A_194 = vector.load %arg0[%get3A_192, %get3A_193] : memref<80x256xf32, #tpu.memory_space<vmem>>, vector<1x256xf32>
        %get3A_195 = arith.index_cast %add3A_191 : i32 to index
        %get3A_196 = arith.constant 0 : index
        %get3A_197 = vector.load %arg1[%get3A_195, %get3A_196] : memref<80x256xf32, #tpu.memory_space<vmem>>, vector<1x256xf32>
        %get3A_198 = arith.index_cast %add3A_191 : i32 to index
        %get3A_199 = arith.constant 0 : index
        %get3A_200 = vector.load %arg2[%get3A_198, %get3A_199] : memref<80x256xf32, #tpu.memory_space<vmem>>, vector<1x256xf32>
        %get3A_201 = arith.index_cast %add3A_191 : i32 to index
        %get3A_202 = arith.constant 0 : index
        %get3A_203 = vector.load %arg3[%get3A_201, %get3A_202] : memref<80x256xf32, #tpu.memory_space<vmem>>, vector<1x256xf32>
        %get3A_204 = arith.index_cast %add3A_191 : i32 to index
        %get3A_205 = arith.constant 0 : index
        %get3A_206 = vector.load %arg7[%get3A_204, %get3A_205] : memref<80x256xf32, #tpu.memory_space<vmem>>, vector<1x256xf32>
        %max3A_207 = vector.broadcast %select_n3A_131 : vector<256x1xf32> to vector<256x256xf32>
        %max3A_208 = vector.broadcast %get3A_194 : vector<1x256xf32> to vector<256x256xf32>
        %max3A_209 = arith.maximumf %max3A_207, %max3A_208 : vector<256x256xf32>
        %max3A_210 = vector.broadcast %dot_general3A_58 : vector<256x1xf32> to vector<256x256xf32>
        %max3A_211 = vector.broadcast %get3A_197 : vector<1x256xf32> to vector<256x256xf32>
        %max3A_212 = arith.maximumf %max3A_210, %max3A_211 : vector<256x256xf32>
        %min3A_213 = vector.broadcast %dot_general3A_63 : vector<256x1xf32> to vector<256x256xf32>
        %min3A_214 = vector.broadcast %get3A_200 : vector<1x256xf32> to vector<256x256xf32>
        %min3A_215 = arith.minimumf %min3A_213, %min3A_214 : vector<256x256xf32>
        %min3A_216 = vector.broadcast %dot_general3A_68 : vector<256x1xf32> to vector<256x256xf32>
        %min3A_217 = vector.broadcast %get3A_203 : vector<1x256xf32> to vector<256x256xf32>
        %min3A_218 = arith.minimumf %min3A_216, %min3A_217 : vector<256x256xf32>
        %sub3A_219 = arith.subf %min3A_215, %max3A_209 : vector<256x256xf32>
        %add3A_220 = arith.constant 1.000000e+00 : f32
        %add3A_221 = vector.broadcast %add3A_220 : f32 to vector<256x256xf32>
        %add3A_222 = arith.addf %sub3A_219, %add3A_221 : vector<256x256xf32>
        %max3A_223 = arith.constant 0.000000e+00 : f32
        %max3A_224 = vector.broadcast %max3A_223 : f32 to vector<256x256xf32>
        %max3A_225 = arith.maximumf %max3A_224, %add3A_222 : vector<256x256xf32>
        %sub3A_226 = arith.subf %min3A_218, %max3A_212 : vector<256x256xf32>
        %add3A_227 = arith.constant 1.000000e+00 : f32
        %add3A_228 = vector.broadcast %add3A_227 : f32 to vector<256x256xf32>
        %add3A_229 = arith.addf %sub3A_226, %add3A_228 : vector<256x256xf32>
        %max3A_230 = arith.constant 0.000000e+00 : f32
        %max3A_231 = vector.broadcast %max3A_230 : f32 to vector<256x256xf32>
        %max3A_232 = arith.maximumf %max3A_231, %add3A_229 : vector<256x256xf32>
        %mul3A_233 = arith.mulf %max3A_225, %max3A_232 : vector<256x256xf32>
        %add3A_234 = vector.broadcast %dot_general3A_73 : vector<256x1xf32> to vector<256x256xf32>
        %add3A_235 = vector.broadcast %get3A_206 : vector<1x256xf32> to vector<256x256xf32>
        %add3A_236 = arith.addf %add3A_234, %add3A_235 : vector<256x256xf32>
        %sub3A_237 = arith.subf %add3A_236, %mul3A_233 : vector<256x256xf32>
        %div3A_238 = arith.divf %mul3A_233, %sub3A_237 : vector<256x256xf32>
        %reduce_max3A = arith.constant dense<0xFF800000> : vector<256xf32>
        %reduce_max3A_239 = vector.multi_reduction <maximumf>, %div3A_238, %reduce_max3A [0] : vector<256x256xf32> to vector<256xf32>
        %broadcast_in_dim3A_240 = vector.shape_cast %reduce_max3A_239 : vector<256xf32> to vector<1x256xf32>
        %gt3A_241 = arith.constant 6.000000e-01 : f32
        %gt3A_242 = vector.broadcast %gt3A_241 : f32 to vector<1x256xf32>
        %gt3A_243 = arith.cmpf ogt, %broadcast_in_dim3A_240, %gt3A_242 : vector<1x256xf32>
        %get3A_244 = arith.index_cast %add3A_191 : i32 to index
        %get3A_245 = arith.constant 0 : index
        %get3A_246 = vector.load %arg4[%get3A_244, %get3A_245] : memref<80x256xf32, #tpu.memory_space<vmem>>, vector<1x256xf32>
        %jit3A_247 = arith.constant 0.000000e+00 : f32
        %broadcast_in_dim3A_248 = vector.broadcast %jit3A_247 : f32 to vector<1x256xf32>
        %select_n3A_249 = arith.select %gt3A_243, %broadcast_in_dim3A_248, %get3A_246 : vector<1x256xi1>, vector<1x256xf32>
        %swap3A_250 = arith.index_cast %add3A_191 : i32 to index
        %swap3A_251 = arith.constant 0 : index
        %swap3A_252 = vector.load %arg4[%swap3A_250, %swap3A_251] : memref<80x256xf32, #tpu.memory_space<vmem>>, vector<1x256xf32>
        tpu.vector_store %arg4[%swap3A_250, %swap3A_251], %select_n3A_249 {strides = array<i32>} : memref<80x256xf32, #tpu.memory_space<vmem>>, vector<1x256xf32>,
        %add3A_253 = arith.constant 1 : i32
        %add3A_254 = arith.addi %add3A_191, %add3A_253 : i32
        %get3A_255 = arith.index_cast %add3A_254 : i32 to index
        %get3A_256 = arith.constant 0 : index
        %get3A_257 = vector.load %arg0[%get3A_255, %get3A_256] : memref<80x256xf32, #tpu.memory_space<vmem>>, vector<1x256xf32>
        %get3A_258 = arith.index_cast %add3A_254 : i32 to index
        %get3A_259 = arith.constant 0 : index
        %get3A_260 = vector.load %arg1[%get3A_258, %get3A_259] : memref<80x256xf32, #tpu.memory_space<vmem>>, vector<1x256xf32>
        %get3A_261 = arith.index_cast %add3A_254 : i32 to index
        %get3A_262 = arith.constant 0 : index
        %get3A_263 = vector.load %arg2[%get3A_261, %get3A_262] : memref<80x256xf32, #tpu.memory_space<vmem>>, vector<1x256xf32>
        %get3A_264 = arith.index_cast %add3A_254 : i32 to index
        %get3A_265 = arith.constant 0 : index
        %get3A_266 = vector.load %arg3[%get3A_264, %get3A_265] : memref<80x256xf32, #tpu.memory_space<vmem>>, vector<1x256xf32>
        %get3A_267 = arith.index_cast %add3A_254 : i32 to index
        %get3A_268 = arith.constant 0 : index
        %get3A_269 = vector.load %arg7[%get3A_267, %get3A_268] : memref<80x256xf32, #tpu.memory_space<vmem>>, vector<1x256xf32>
        %max3A_270 = vector.broadcast %select_n3A_131 : vector<256x1xf32> to vector<256x256xf32>
        %max3A_271 = vector.broadcast %get3A_257 : vector<1x256xf32> to vector<256x256xf32>
        %max3A_272 = arith.maximumf %max3A_270, %max3A_271 : vector<256x256xf32>
        %max3A_273 = vector.broadcast %dot_general3A_58 : vector<256x1xf32> to vector<256x256xf32>
        %max3A_274 = vector.broadcast %get3A_260 : vector<1x256xf32> to vector<256x256xf32>
        %max3A_275 = arith.maximumf %max3A_273, %max3A_274 : vector<256x256xf32>
        %min3A_276 = vector.broadcast %dot_general3A_63 : vector<256x1xf32> to vector<256x256xf32>
        %min3A_277 = vector.broadcast %get3A_263 : vector<1x256xf32> to vector<256x256xf32>
        %min3A_278 = arith.minimumf %min3A_276, %min3A_277 : vector<256x256xf32>
        %min3A_279 = vector.broadcast %dot_general3A_68 : vector<256x1xf32> to vector<256x256xf32>
        %min3A_280 = vector.broadcast %get3A_266 : vector<1x256xf32> to vector<256x256xf32>
        %min3A_281 = arith.minimumf %min3A_279, %min3A_280 : vector<256x256xf32>
        %sub3A_282 = arith.subf %min3A_278, %max3A_272 : vector<256x256xf32>
        %add3A_283 = arith.constant 1.000000e+00 : f32
        %add3A_284 = vector.broadcast %add3A_283 : f32 to vector<256x256xf32>
        %add3A_285 = arith.addf %sub3A_282, %add3A_284 : vector<256x256xf32>
        %max3A_286 = arith.constant 0.000000e+00 : f32
        %max3A_287 = vector.broadcast %max3A_286 : f32 to vector<256x256xf32>
        %max3A_288 = arith.maximumf %max3A_287, %add3A_285 : vector<256x256xf32>
        %sub3A_289 = arith.subf %min3A_281, %max3A_275 : vector<256x256xf32>
        %add3A_290 = arith.constant 1.000000e+00 : f32
        %add3A_291 = vector.broadcast %add3A_290 : f32 to vector<256x256xf32>
        %add3A_292 = arith.addf %sub3A_289, %add3A_291 : vector<256x256xf32>
        %max3A_293 = arith.constant 0.000000e+00 : f32
        %max3A_294 = vector.broadcast %max3A_293 : f32 to vector<256x256xf32>
        %max3A_295 = arith.maximumf %max3A_294, %add3A_292 : vector<256x256xf32>
        %mul3A_296 = arith.mulf %max3A_288, %max3A_295 : vector<256x256xf32>
        %add3A_297 = vector.broadcast %dot_general3A_73 : vector<256x1xf32> to vector<256x256xf32>
        %add3A_298 = vector.broadcast %get3A_269 : vector<1x256xf32> to vector<256x256xf32>
        %add3A_299 = arith.addf %add3A_297, %add3A_298 : vector<256x256xf32>
        %sub3A_300 = arith.subf %add3A_299, %mul3A_296 : vector<256x256xf32>
        %div3A_301 = arith.divf %mul3A_296, %sub3A_300 : vector<256x256xf32>
        %reduce_max3A_302 = arith.constant dense<0xFF800000> : vector<256xf32>
        %reduce_max3A_303 = vector.multi_reduction <maximumf>, %div3A_301, %reduce_max3A_302 [0] : vector<256x256xf32> to vector<256xf32>
        %broadcast_in_dim3A_304 = vector.shape_cast %reduce_max3A_303 : vector<256xf32> to vector<1x256xf32>
        %gt3A_305 = arith.constant 6.000000e-01 : f32
        %gt3A_306 = vector.broadcast %gt3A_305 : f32 to vector<1x256xf32>
        %gt3A_307 = arith.cmpf ogt, %broadcast_in_dim3A_304, %gt3A_306 : vector<1x256xf32>
        %get3A_308 = arith.index_cast %add3A_254 : i32 to index
        %get3A_309 = arith.constant 0 : index
        %get3A_310 = vector.load %arg4[%get3A_308, %get3A_309] : memref<80x256xf32, #tpu.memory_space<vmem>>, vector<1x256xf32>
        %jit3A_311 = arith.constant 0.000000e+00 : f32
        %broadcast_in_dim3A_312 = vector.broadcast %jit3A_311 : f32 to vector<1x256xf32>
        %select_n3A_313 = arith.select %gt3A_307, %broadcast_in_dim3A_312, %get3A_310 : vector<1x256xi1>, vector<1x256xf32>
        %swap3A_314 = arith.index_cast %add3A_254 : i32 to index
        %swap3A_315 = arith.constant 0 : index
        %swap3A_316 = vector.load %arg4[%swap3A_314, %swap3A_315] : memref<80x256xf32, #tpu.memory_space<vmem>>, vector<1x256xf32>
        tpu.vector_store %arg4[%swap3A_314, %swap3A_315], %select_n3A_313 {strides = array<i32>} : memref<80x256xf32, #tpu.memory_space<vmem>>, vector<1x256xf32>,
      }
      %jit3A_167 = arith.constant 2 : i32
      %eq3A_168 = arith.constant 0 : i32
      %eq3A_169 = arith.cmpi eq, %jit3A_167, %eq3A_168 : i32
      %jit3A_170 = arith.constant 1 : i32
      %select_n3A_171 = arith.select %eq3A_169, %jit3A_170, %jit3A_167 : i32
      %rem3A_172 = arith.remsi %sub3A_135, %select_n3A_171 : i32
      %ne3A_173 = arith.constant 0 : i32
      %ne3A_174 = arith.cmpi ne, %rem3A_172, %ne3A_173 : i32
      %lt3A_175 = arith.constant 0 : i32
      %lt3A_176 = arith.cmpi slt, %rem3A_172, %lt3A_175 : i32
      %lt3A_177 = arith.constant 0 : i32
      %lt3A_178 = arith.cmpi slt, %select_n3A_171, %lt3A_177 : i32
      %ne3A_179 = arith.xori %lt3A_176, %lt3A_178 : i1
      %and3A_180 = arith.andi %ne3A_179, %ne3A_174 : i1
      %add3A_181 = arith.addi %rem3A_172, %select_n3A_171 : i32
      %select_n3A_182 = arith.select %and3A_180, %add3A_181, %rem3A_172 : i32
      %eq3A_183 = arith.constant 1 : i32
      %eq3A_184 = arith.cmpi eq, %select_n3A_182, %eq3A_183 : i32
      %convert_element_type3A = arith.extui %eq3A_184 : i1 to i32
      %cond3A = arith.constant 0 : i32
      %cond3A_185 = arith.cmpi ne, %convert_element_type3A, %cond3A : i32
      scf.if %cond3A_185 {
        %get3A_186 = arith.constant 79 : index
        %get3A_187 = arith.constant 0 : index
        %get3A_188 = vector.load %arg0[%get3A_186, %get3A_187] : memref<80x256xf32, #tpu.memory_space<vmem>>, vector<1x256xf32>
        %get3A_189 = arith.constant 79 : index
        %get3A_190 = arith.constant 0 : index
        %get3A_191 = vector.load %arg1[%get3A_189, %get3A_190] : memref<80x256xf32, #tpu.memory_space<vmem>>, vector<1x256xf32>
        %get3A_192 = arith.constant 79 : index
        %get3A_193 = arith.constant 0 : index
        %get3A_194 = vector.load %arg2[%get3A_192, %get3A_193] : memref<80x256xf32, #tpu.memory_space<vmem>>, vector<1x256xf32>
        %get3A_195 = arith.constant 79 : index
        %get3A_196 = arith.constant 0 : index
        %get3A_197 = vector.load %arg3[%get3A_195, %get3A_196] : memref<80x256xf32, #tpu.memory_space<vmem>>, vector<1x256xf32>
        %get3A_198 = arith.constant 79 : index
        %get3A_199 = arith.constant 0 : index
        %get3A_200 = vector.load %arg7[%get3A_198, %get3A_199] : memref<80x256xf32, #tpu.memory_space<vmem>>, vector<1x256xf32>
        %max3A_201 = vector.broadcast %select_n3A_131 : vector<256x1xf32> to vector<256x256xf32>
        %max3A_202 = vector.broadcast %get3A_188 : vector<1x256xf32> to vector<256x256xf32>
        %max3A_203 = arith.maximumf %max3A_201, %max3A_202 : vector<256x256xf32>
        %max3A_204 = vector.broadcast %dot_general3A_58 : vector<256x1xf32> to vector<256x256xf32>
        %max3A_205 = vector.broadcast %get3A_191 : vector<1x256xf32> to vector<256x256xf32>
        %max3A_206 = arith.maximumf %max3A_204, %max3A_205 : vector<256x256xf32>
        %min3A_207 = vector.broadcast %dot_general3A_63 : vector<256x1xf32> to vector<256x256xf32>
        %min3A_208 = vector.broadcast %get3A_194 : vector<1x256xf32> to vector<256x256xf32>
        %min3A_209 = arith.minimumf %min3A_207, %min3A_208 : vector<256x256xf32>
        %min3A_210 = vector.broadcast %dot_general3A_68 : vector<256x1xf32> to vector<256x256xf32>
        %min3A_211 = vector.broadcast %get3A_197 : vector<1x256xf32> to vector<256x256xf32>
        %min3A_212 = arith.minimumf %min3A_210, %min3A_211 : vector<256x256xf32>
        %sub3A_213 = arith.subf %min3A_209, %max3A_203 : vector<256x256xf32>
        %add3A_214 = arith.constant 1.000000e+00 : f32
        %add3A_215 = vector.broadcast %add3A_214 : f32 to vector<256x256xf32>
        %add3A_216 = arith.addf %sub3A_213, %add3A_215 : vector<256x256xf32>
        %max3A_217 = arith.constant 0.000000e+00 : f32
        %max3A_218 = vector.broadcast %max3A_217 : f32 to vector<256x256xf32>
        %max3A_219 = arith.maximumf %max3A_218, %add3A_216 : vector<256x256xf32>
        %sub3A_220 = arith.subf %min3A_212, %max3A_206 : vector<256x256xf32>
        %add3A_221 = arith.constant 1.000000e+00 : f32
        %add3A_222 = vector.broadcast %add3A_221 : f32 to vector<256x256xf32>
        %add3A_223 = arith.addf %sub3A_220, %add3A_222 : vector<256x256xf32>
        %max3A_224 = arith.constant 0.000000e+00 : f32
        %max3A_225 = vector.broadcast %max3A_224 : f32 to vector<256x256xf32>
        %max3A_226 = arith.maximumf %max3A_225, %add3A_223 : vector<256x256xf32>
        %mul3A_227 = arith.mulf %max3A_219, %max3A_226 : vector<256x256xf32>
        %add3A_228 = vector.broadcast %dot_general3A_73 : vector<256x1xf32> to vector<256x256xf32>
        %add3A_229 = vector.broadcast %get3A_200 : vector<1x256xf32> to vector<256x256xf32>
        %add3A_230 = arith.addf %add3A_228, %add3A_229 : vector<256x256xf32>
        %sub3A_231 = arith.subf %add3A_230, %mul3A_227 : vector<256x256xf32>
        %div3A_232 = arith.divf %mul3A_227, %sub3A_231 : vector<256x256xf32>
        %reduce_max3A = arith.constant dense<0xFF800000> : vector<256xf32>
        %reduce_max3A_233 = vector.multi_reduction <maximumf>, %div3A_232, %reduce_max3A [0] : vector<256x256xf32> to vector<256xf32>
        %broadcast_in_dim3A_234 = vector.shape_cast %reduce_max3A_233 : vector<256xf32> to vector<1x256xf32>
        %gt3A_235 = arith.constant 6.000000e-01 : f32
        %gt3A_236 = vector.broadcast %gt3A_235 : f32 to vector<1x256xf32>
        %gt3A_237 = arith.cmpf ogt, %broadcast_in_dim3A_234, %gt3A_236 : vector<1x256xf32>
        %get3A_238 = arith.constant 79 : index
        %get3A_239 = arith.constant 0 : index
        %get3A_240 = vector.load %arg4[%get3A_238, %get3A_239] : memref<80x256xf32, #tpu.memory_space<vmem>>, vector<1x256xf32>
        %jit3A_241 = arith.constant 0.000000e+00 : f32
        %broadcast_in_dim3A_242 = vector.broadcast %jit3A_241 : f32 to vector<1x256xf32>
        %select_n3A_243 = arith.select %gt3A_237, %broadcast_in_dim3A_242, %get3A_240 : vector<1x256xi1>, vector<1x256xf32>
        %swap3A_244 = arith.constant 79 : index
        %swap3A_245 = arith.constant 0 : index
        %swap3A_246 = vector.load %arg4[%swap3A_244, %swap3A_245] : memref<80x256xf32, #tpu.memory_space<vmem>>, vector<1x256xf32>
        tpu.vector_store %arg4[%swap3A_244, %swap3A_245], %select_n3A_243 {strides = array<i32>} : memref<80x256xf32, #tpu.memory_space<vmem>>, vector<1x256xf32>,
      } else {
      }
    }
    %scan3A_33 = arith.constant 80 : i32
    return
  }
}

</mosaic_0001>

<sc_bundles>
// kernel: kernel.4.cloned.1.call-start
scs
__scs_entry_jumppad:
0x0: {  	(pc) =	sbr.rel $0x88, $3  }
0x1: {  	(tag) =	ssettag $0x0;
	lr =	simm.s32 $0x1  }
0x2: {  	[smem:$0x3F9F] =	sst lr;
	_ =	strace $0xD0000000  }
0x3: {  	_ = 	snop  }
0x4: {  	_ = 	snop  }
0x5: {  	_ = 	snop  }
0x6: {  	_ = 	snop  }
0x7: {  	_ = 	snop  }
__scs_overlays_trampoline_lowered:
0x8: {  	[smem:$0x3FAE] =	sst s0  }
0x9: {  	[smem:$0x3FAF] =	sst s1  }
0xa: {  	[smem:$0x3FB0] =	sst s2  }
0xb: {  	[smem:$0x3FB1] =	sst s3  }
0xc: {  	[smem:$0x3FB2] =	sst s4  }
0xd: {  	[smem:$0x3FB3] =	sst s5  }
0xe: {  	[smem:$0x3FB4] =	sst s6  }
0xf: {  	[smem:$0x3FB5] =	sst s7  }
0x10: {  	[smem:$0x3FB6] =	sst s8  }
0x11: {  	[smem:$0x3FB7] =	sst s9;
	s0 =	simm.s32 @!p0 $0x0  }
0x12: {  	s1 =	sld [smem:$0x3F9D];
	s0 =	simm.s32 @p0 $0x1  }
0x13: {  	[smem:$0x3FB8] =	sst s0;
	s0 =	simm.s32 @!p1 $0x0  }
0x14: {  	s2 =	sld [smem:$0x3F9C];
	s0 =	simm.s32 @p1 $0x1  }
0x15: {  	[smem:$0x3FB9] =	sst s0;
	s0 =	simm.s32 @!p2 $0x0  }
0x16: {  	s3 =	sld [smem:$0x3FDB];
	s0 =	simm.s32 @p2 $0x1  }
0x17: {  	s4 =	simm.s32 $0x1BF5;
	[smem:$0x3FBB] =	sst s0  }
0x18: {  	s0 =	sld [smem:$0x3F9E];
	_ =	swait.ge [sflag:s4], $0x0  }
0x19: {  	s7 =	sld [smem:$0x3F9F]  }
0x1a: {  	s8 =	sadd.s32 $0xFFFFE003, lr  }
0x1b: {  	s9 =	sadd.s32 $0xFFFFFEF7, lr;
	s5 =	simm.s32 $0xFFFFFFFF;
	p2 =	slt.u32 s8, $0xFFFFF086  }
0x1c: {  	p1 =	slt.u32 s9, $0xF7A;
	s5 =	simm.s32 @!p2 $0x0  }
0x1d: {  	s5 =	simm.s32 @p1 $0x1;
	p0 =	seq.s32 s7, s2  }
0x1e: {  	s7 =	smul.u32 @!p0 $0xF7A, s2;
	p2 =	seq.s32 @!p0 s5, $0x0  }
0x1f: {  	s9 =	smul.u32 $0xF7A, s1;
	s8 =	simm.s32 @!p0 $0x1BF5;
	p2 =	por !p2, p0  }
0x20: {  	[sflag:s8] =	ssyncset.s32 @!p0 $0xFFFFF086;
	s6 =	sadd.s32 @!p0 s3, s7;
	s7 =	simm.s32 @!p0 $0x108  }
0x21: {  	s3 =	sadd.s32 s3, s9;
	s6 =	sadd.s32 @!p0 $0x88, s6;
	s7 =	simm.s32 @p2 $0x1082  }
0x22: {  	[simem:s7], [sflag:s8] =	dma.local @!p0 [hbm:s6], $0xF7A  }
0x23: {  	s9 =	sor.u32 $0xD0000000, s2;
	s6 =	simm.s32 $0x108;
	_ =	swait.ge @!p0 [sflag:s8], $0x0  }
0x24: {  	s3 =	sadd.s32 $0x88, s3;
	s6 =	simm.s32 @!p1 $0x1082;
	[sflag:s4] =	ssyncset.s32 $0xFFFFF086  }
0x25: {  	[simem:s6], [sflag:s4] =	dma.local [hbm:s3], $0xF7A  }
0x26: {  	[smem:$0x3F9F] =	sst s1;
	(tag) =	ssettag s2;
	_ =	strace s9  }
0x27: {  	s1 =	sld [smem:$0x3FAF]  }
0x28: {  	s2 =	sld [smem:$0x3FB0]  }
0x29: {  	s4 =	sld [smem:$0x3FB2]  }
0x2a: {  	p0 =	seq.s32 s5, $0x0;
	s5 =	sld [smem:$0x3FB3]  }
0x2b: {  	s6 =	sld [smem:$0x3FB4]  }
0x2c: {  	s7 =	sld [smem:$0x3FB5]  }
0x2d: {  	s3 =	simm.s32 $0x108;
	s8 =	sld [smem:$0x3FB6]  }
0x2e: {  	s3 =	simm.s32 @!p0 $0x1082;
	s9 =	sld [smem:$0x3FB7]  }
0x2f: {  	lr =	sadd.s32 s0, s3;
	s0 =	sld [smem:$0x3FAE]  }
0x30: {  	s3 =	sld [smem:$0x3FB1]  }
0x31: {  	[smem:$0x3FBA] =	sst s10  }
0x32: {  	s10 =	sld [smem:$0x3FB8];
	_ =	sdelay $0x3  }
0x33: {  	p0 =	seq.s32 s10, $0x1;
	s10 =	sld [smem:$0x3FBA];
	_ =	sdelay $0x3  }
0x34: {  	[smem:$0x3FBA] =	sst s10  }
0x35: {  	s10 =	sld [smem:$0x3FB9];
	_ =	sdelay $0x3  }
0x36: {  	p1 =	seq.s32 s10, $0x1;
	s10 =	sld [smem:$0x3FBA];
	_ =	sdelay $0x3  }
0x37: {  	[smem:$0x3FBA] =	sst s10  }
0x38: {  	s10 =	sld [smem:$0x3FBB]  }
0x39: {  	_ = 	snop;
	(pc) =	sbr.ind lr, $3  }
0x3a: {  	_ = 	snop  }
0x3b: {  	_ = 	snop  }
0x3c: {  	p2 =	seq.s32 s10, $0x1;
	s10 =	sld [smem:$0x3FBA]  }
0x3d: {  	_ =	shalt  }
0x3e: {  	_ =	shalt  }
0x3f: {  	_ =	shalt  }
0x40: {  	_ =	shalt  }
0x41: {  	_ =	shalt  }
0x42: {  	_ =	shalt  }
0x43: {  	_ =	shalt  }
0x44: {  	_ =	shalt  }
0x45: {  	_ =	shalt  }
0x46: {  	_ =	shalt  }
0x47: {  	_ =	shalt  }
0x48: {  	_ =	shalt  }
0x49: {  	_ =	shalt  }
0x4a: {  	_ =	shalt  }
0x4b: {  	_ =	shalt  }
0x4c: {  	_ =	shalt  }
0x4d: {  	_ =	shalt  }
0x4e: {  	_ =	shalt  }
0x4f: {  	_ =	shalt  }
0x50: {  	_ =	shalt  }
0x51: {  	_ =	shalt  }
0x52: {  	_ =	shalt  }
0x53: {  	_ =	shalt  }
0x54: {  	_ =	shalt  }
0x55: {  	_ =	shalt  }
0x56: {  	_ =	shalt  }
0x57: {  	_ =	shalt  }
0x58: {  	_ =	shalt  }
0x59: {  	_ =	shalt  }
0x5a: {  	_ =	shalt  }
0x5b: {  	_ =	shalt  }
0x5c: {  	_ =	shalt  }
0x5d: {  	_ =	shalt  }
0x5e: {  	_ =	shalt  }
0x5f: {  	_ =	shalt  }
0x60: {  	_ =	shalt  }
0x61: {  	_ =	shalt  }
0x62: {  	_ =	shalt  }
0x63: {  	_ =	shalt  }
0x64: {  	_ =	shalt  }
0x65: {  	_ =	shalt  }
0x66: {  	_ =	shalt  }
0x67: {  	_ =	shalt  }
0x68: {  	_ =	shalt  }
0x69: {  	_ =	shalt  }
0x6a: {  	_ =	shalt  }
0x6b: {  	_ =	shalt  }
0x6c: {  	_ =	shalt  }
0x6d: {  	_ =	shalt  }
0x6e: {  	_ =	shalt  }
0x6f: {  	_ =	shalt  }
0x70: {  	_ =	shalt  }
0x71: {  	_ =	shalt  }
0x72: {  	_ =	shalt  }
0x73: {  	_ =	shalt  }
0x74: {  	_ =	shalt  }
0x75: {  	_ =	shalt  }
0x76: {  	_ =	shalt  }
0x77: {  	_ =	shalt  }
0x78: {  	_ =	shalt  }
0x79: {  	_ =	shalt  }
0x7a: {  	_ =	shalt  }
0x7b: {  	_ =	shalt  }
0x7c: {  	_ =	shalt  }
0x7d: {  	_ =	shalt  }
0x7e: {  	_ =	shalt  }
0x7f: {  	_ =	shalt  }
0x80: {  	_ =	shalt  }
0x81: {  	_ =	shalt  }
0x82: {  	_ =	shalt  }
0x83: {  	_ =	shalt  }
0x84: {  	_ =	shalt  }
0x85: {  	_ =	shalt  }
0x86: {  	_ =	shalt  }
0x87: {  	_ =	shalt  }
.Lfunc_end0:
.L_simem_size_0:
called_computation_lowered:
.L_overlay_start_0:
0x88: {  	s2 =	sld [smem:$0x3FD9]  }
0x89: {  	s3 =	sld [smem:$0x3FFE];
	_ =	sdelay $0x1  }
0x8a: {  	s1 =	srdreg.scid  }
0x8b: {  	s0 =	sand.u32 $0x1, s1  }
0x8c: {  	s14 =	sshll.u32 s0, $0xA;
	s2 =	sadd.s32 s3, s2  }
0x8d: {  	s2 =	sadd.s32 s2, s14  }
0x8e: {  	[smem:$0x3FC6] =	sst s2  }
0x8f: {  	_ = 	snop  }
0x90: {  	s2 =	sld [smem:$0x3FD0];
	_ =	sdelay $0x2  }
0x91: {  	s15 =	simm.s32 $0xA;
	s4 =	simm.s32 $0x10  }
0x92: {  	[smem:s4], [sflag:s15] =	dma.local [hbm:s2], $0x1  }
0x93: {  	_ =	swait.eq [sflag:s15], $0x1  }
0x94: {  	[sflag:s15] =	ssyncset.done $0x0  }
0x95: {  	[sflag:s15] =	ssyncadd.s32 $0xFFFFFFFF  }
0x96: {  	s16 =	sld [smem:$0x10];
	(tm) =	ssettm $0x1  }
0x97: {  	s17 =	sld [smem:$0x3FFB];
	_ =	sdelay $0x3  }
0x98: {  	_ =	strace s17  }
0x99: {  	s3 =	sld [smem:$0x3FFC];
	_ =	sdelay $0x3  }
0x9a: {  	_ =	strace s3  }
0x9b: {  	s3 =	sld [smem:$0x3FFD];
	_ =	sdelay $0x3  }
0x9c: {  	_ =	strace s3  }
0x9d: {  	_ =	strace $0x8FFFFFFF  }
0x9e: {  	s18 =	sld [smem:$0x3FDB];
	_ =	sdelay $0x1  }
0x9f: {  	s19 =	simm.s32 $_scs_section_size  }
0xa0: {  	s5 =	simm.s32 $_size__tile_overlayer_lowered;
	s6 =	simm.s32 $_tile_overlayer_lowered  }
0xa1: {  	s22 =	simm.s32 $0x1BFF;
	s21 =	sshll.u32 s6, $0x1;
	s3 =	sadd.s32 s19, s18  }
0xa2: {  	s7 =	simm.s32 $0x0;
	s20 =	sshll.u32 s5, $0x1;
	s5 =	sadd.s32 s21, s3  }
0xa3: {  	[timem:s7], [sflag:s22] =	dma.local [hbm:s5], s20  }
0xa4: {  	_ =	swait.ge [sflag:s22], s20  }
0xa5: {  	s4 =	ssub.s32 $0x0, s20;
	[sflag:s22] =	ssyncset.done $0x0  }
0xa6: {  	[sflag:s22] =	ssyncadd.s32 s4;
	_ =	sdelay $0x1  }
0xa7: {  	s23 =	simm.s32 $0x1B8B  }
0xa8: {  	_ =	swait.ge [sflag:s23], $0x1  }
0xa9: {  	[sflag:s23] =	ssyncset.done $0x0  }
0xaa: {  	s25 =	simm.s32 $0x1B8E;
	s24 =	sld [smem:$0x3FFE];
	[sflag:s23] =	ssyncadd.s32 $0xFFFFFFFF  }
0xab: {  	s26 =	simm.s32 $execute0_lowered;
	[smem:$0x3FD2] =	sst s25  }
0xac: {  	s5 =	sshll.u32 s26, $0x1;
	_ =	strace $0x80000046;
	[dreg:$0x1] =	wrdreg $0xFFFFFFFF  }
0xad: {  	s28 =	simm.s32 $_size_execute0_lowered;
	s3 =	sadd.s32 s3, s5;
	[dreg:$0x0] =	wrdreg $0x0  }
0xae: {  	s5 =	sshll.u32 s28, $0x1;
	[dreg:$0x2] =	wrdreg s3  }
0xaf: {  	[dreg:$0x3] =	wrdreg s5  }
0xb0: {  	[dreg:$0x4] =	wrdreg $0xC0  }
0xb1: {  	_ =	task [dreg:s7], $0x5FFFF  }
0xb2: {  	[dreg:$0x1] =	wrdreg $0xFFFFFFFF  }
0xb3: {  	[dreg:$0x0] =	wrdreg $0x60  }
0xb4: {  	[dreg:$0x2] =	wrdreg s24  }
0xb5: {  	[dreg:$0x3] =	wrdreg s16  }
0xb6: {  	[dreg:$0x4] =	wrdreg $0x9  }
0xb7: {  	_ =	task.clear_ibuf [dreg:s7], $0x5FFFF;
	_ =	strace $0x90000046  }
0xb8: {  	s29 =	simm.s32 $0x9;
	_ =	strace $0x80000048  }
0xb9: {  	_ =	swait.ge [sflag:s29], $0x1  }
0xba: {  	[sflag:s29] =	ssyncadd.s32 $0xFFFFFFFF  }
0xbb: {  	_ =	strace $0x90000048  }
0xbc: {  	_ =	sfence  }
0xbd: {  	s30 =	sld [smem:$0x0];
	_ =	sdelay $0x2  }
0xbe: {  	s31 =	sshll.u32 s1, $0xD;
	s1 =	sshrl.u32 s1, $0x2  }
0xbf: {  	s3 =	sand.u32 $0x4000, s31;
	s1 =	sadd.s32 s1, s30  }
0xc0: {  	s0 =	sor.u32 s3, s0;
	s1 =	sshll.u32 s1, $0x11  }
0xc1: {  	s0 =	sor.u32 s1, s0  }
0xc2: {  	s0 =	sadd.s32 $0x8F2B, s0  }
0xc3: {  	[sflag:s0] =	ssyncadd.remote.s32 $0x1  }
0xc4: {  	_ =	sfence.sel $0xFFFF  }
0xc5: {  	[dreg:$0x0] =	wrdreg $0xFFFFFFFF;
	(pc) =	sbr.abs _section_cstart, $3  }
0xc6: {  	[dreg:$0x1] =	wrdreg $0xFFFFFFFF  }
0xc7: {  	_ =	task.clear_ibuf [dreg:s7], $0x2FFFF;
	_ =	strace $0x9FFFFFFF  }
0xc8: {  	(tm) =	ssettm $0x7FFFFFFF  }
0xc9: {  	_ =	shalt  }
tec
execute0_lowered:
.L_overlay_start_1:
0x0: {  	(tag) =	ssettag $0x1  }
0x1: {  	s1 =	srdreg.scid;
	s0 =	stileid.u32  }
0x2: {  	s2 =	rddreg [dreg:$0x0];
	s16 =	sand.u32 $0x1, s1;
	s29 =	sshll.u32 s0, $0x1  }
0x3: {  	s4 =	rddreg [dreg:$0x1];
	s17 =	sor.u32 s16, s29  }
0x4: {  	s3 =	simm.s32 $0x0;
	s1 =	rddreg [dreg:$0x2];
	s5 =	smul.u32 $0x50, s17  }
0x5: {  	[smem:$0x7FF] =	sst s3  }
0x6: {  	_ =	strace $0x80000047;
	s5 =	sadd.s32 s4, s5;
	s4 =	simm.s32 $0x2  }
0x7: {  	[tilespmem:s3], [sflag:$0x2] =	stream.linear.gather [hbm4b:s5+s3], $0x280, $0x38;
	[tilespmem:$0x2A80] =	vst v63  }
0x8: {  	_ =	swait.ge [sflag:s4], $0x280  }
0x9: {  	[sflag:s4] =	ssyncset.done $0x0  }
0xa: {  	s6 =	simm.s32 $0x80;
	s7 =	simm.s32 $0x280;
	[sflag:s4] =	ssyncadd.s32 $0xFFFFFD80  }
0xb: {  	[tilespmem:s7], [sflag:$0x1] =	stream.indirect.gather [hbm4b:s2+s6], $0x10, s3, s6, $0xb8;
	[tilespmem:$0x2A80] =	vst v63  }
0xc: {  	s8 =	simm.s32 $0xA80  }
0xd: {  	[tilespmem:s8], [sflag:$0x1] =	stream.indirect.gather [hbm4b:s2+s6], $0x10, s6, s6, $0xb8;
	[tilespmem:$0x2A80] =	vst v63  }
0xe: {  	s9 =	simm.s32 $0x100;
	s10 =	simm.s32 $0x1280  }
0xf: {  	[tilespmem:s10], [sflag:$0x1] =	stream.indirect.gather [hbm4b:s2+s6], $0x10, s9, s6, $0xb8;
	[tilespmem:$0x2A80] =	vst v63  }
0x10: {  	s11 =	simm.s32 $0x180;
	s12 =	simm.s32 $0x1A80  }
0x11: {  	[tilespmem:s12], [sflag:$0x1] =	stream.indirect.gather [hbm4b:s2+s6], $0x10, s11, s6, $0xb8;
	[tilespmem:$0x2A80] =	vst v63  }
0x12: {  	s13 =	simm.s32 $0x200;
	s14 =	simm.s32 $0x2280;
	s15 =	simm.s32 $0x1  }
0x13: {  	[tilespmem:s14], [sflag:$0x1] =	stream.indirect.gather [hbm4b:s2+s6], $0x10, s13, s6, $0xb8;
	[tilespmem:$0x2A80] =	vst v63  }
0x14: {  	_ =	swait.ge [sflag:s15], $0x800  }
0x15: {  	[sflag:s15] =	ssyncset.done $0x0  }
0x16: {  	[sflag:s15] =	ssyncadd.s32 $0xFFFFF800  }
0x17: {  	_ =	swait.ge [sflag:s15], $0x800  }
0x18: {  	[sflag:s15] =	ssyncset.done $0x0  }
0x19: {  	[sflag:s15] =	ssyncadd.s32 $0xFFFFF800  }
0x1a: {  	_ =	swait.ge [sflag:s15], $0x800  }
0x1b: {  	[sflag:s15] =	ssyncset.done $0x0  }
0x1c: {  	s16 =	ssub.s32 $0x2, s16;
	[sflag:s15] =	ssyncadd.s32 $0xFFFFF800  }
0x1d: {  	s18 =	sshrl.u32 s16, $0x1;
	_ =	swait.ge [sflag:s15], $0x800  }
0x1e: {  	s18 =	ssub.s32 s16, s18;
	[sflag:s15] =	ssyncset.done $0x0  }
0x1f: {  	s17 =	smul.u32 $0x500, s17;
	s31 =	smax.u32 s18, $0x1;
	[sflag:s15] =	ssyncadd.s32 $0xFFFFF800  }
0x20: {  	p0 =	sne.s32 s31, $0x1;
	_ =	swait.ge [sflag:s15], $0x800  }
.Ltmp0:
0x21: {  	s30 =	sadd.s32 s17, s2;
	[sflag:s15] =	ssyncset.done $0x0;
	(pc) =	sbr.rel @!p0 .LBB2_2-.Ltmp0, $4  }
0x22: {  	s16 =	sadd.s32 $0x9E00, s30;
	[sflag:s15] =	ssyncadd.s32 $0xFFFFF800  }
0x23: {  	[hbm4b:s16+s3] =	stream.linear.scatter [tilespmem:s7], [sflag:$0x2], $0x2800, $0x38;
	[tilespmem:$0x2A80] =	vst v63  }
0x24: {  	_ =	swait.ge [sflag:s4], $0x2800  }
0x25: {  	s17 =	sadd.s32 $0xFFFFFFFF, s31;
	[sflag:s4] =	ssyncset.done $0x0  }
.LBB2_1:
0x26: {  	p0 =	sne.s32 s17, $0x1;
	s17 =	sadd.s32 $0xFFFFFFFF, s17;
	[sflag:s4] =	ssyncadd.s32 $0xFFFFD800  }
0x27: {  	[tilespmem:s3], [sflag:$0x2] =	stream.linear.gather [hbm4b:s5+s3], $0x280, $0x38;
	[tilespmem:$0x2A80] =	vst v63  }
0x28: {  	_ =	swait.ge [sflag:s4], $0x280  }
0x29: {  	[sflag:s4] =	ssyncset.done $0x0  }
0x2a: {  	[sflag:s4] =	ssyncadd.s32 $0xFFFFFD80  }
0x2b: {  	[tilespmem:s7], [sflag:$0x1] =	stream.indirect.gather [hbm4b:s2+s6], $0x10, s3, s6, $0xb8;
	[tilespmem:$0x2A80] =	vst v63  }
0x2c: {  	_ = 	snop  }
0x2d: {  	[tilespmem:s8], [sflag:$0x1] =	stream.indirect.gather [hbm4b:s2+s6], $0x10, s6, s6, $0xb8;
	[tilespmem:$0x2A80] =	vst v63  }
0x2e: {  	_ = 	snop  }
0x2f: {  	[tilespmem:s10], [sflag:$0x1] =	stream.indirect.gather [hbm4b:s2+s6], $0x10, s9, s6, $0xb8;
	[tilespmem:$0x2A80] =	vst v63  }
0x30: {  	_ = 	snop  }
0x31: {  	[tilespmem:s12], [sflag:$0x1] =	stream.indirect.gather [hbm4b:s2+s6], $0x10, s11, s6, $0xb8;
	[tilespmem:$0x2A80] =	vst v63  }
0x32: {  	_ = 	snop  }
0x33: {  	[tilespmem:s14], [sflag:$0x1] =	stream.indirect.gather [hbm4b:s2+s6], $0x10, s13, s6, $0xb8;
	[tilespmem:$0x2A80] =	vst v63  }
0x34: {  	_ =	swait.ge [sflag:s15], $0x800  }
0x35: {  	[sflag:s15] =	ssyncset.done $0x0  }
0x36: {  	[sflag:s15] =	ssyncadd.s32 $0xFFFFF800  }
0x37: {  	_ =	swait.ge [sflag:s15], $0x800  }
0x38: {  	[sflag:s15] =	ssyncset.done $0x0  }
0x39: {  	[sflag:s15] =	ssyncadd.s32 $0xFFFFF800  }
0x3a: {  	_ =	swait.ge [sflag:s15], $0x800  }
0x3b: {  	[sflag:s15] =	ssyncset.done $0x0  }
0x3c: {  	[sflag:s15] =	ssyncadd.s32 $0xFFFFF800  }
0x3d: {  	_ =	swait.ge [sflag:s15], $0x800  }
0x3e: {  	[sflag:s15] =	ssyncset.done $0x0  }
0x3f: {  	[sflag:s15] =	ssyncadd.s32 $0xFFFFF800  }
0x40: {  	_ =	swait.ge [sflag:s15], $0x800  }
.Ltmp1:
0x41: {  	[sflag:s15] =	ssyncset.done $0x0;
	(pc) =	sbr.rel @p0 .LBB2_1-.Ltmp1, $4  }
0x42: {  	[sflag:s15] =	ssyncadd.s32 $0xFFFFF800  }
0x43: {  	[hbm4b:s16+s3] =	stream.linear.scatter [tilespmem:s7], [sflag:$0x2], $0x2800, $0x38;
	[tilespmem:$0x2A80] =	vst v63  }
0x44: {  	_ =	swait.ge [sflag:s4], $0x2800  }
0x45: {  	[sflag:s4] =	ssyncset.done $0x0  }
.LBB2_2:
0x46: {  	[sflag:s4] =	ssyncadd.s32 $0xFFFFD800  }
0x47: {  	_ =	sfence.sel $0x180000  }
0x48: {  	[bflag:$0x0] =	sbarrier.arrive $0xFFFF  }
0x49: {  	p0 =	sne.s32 s0, $0x0;
	_ =	strace $0x90000047  }
0x4a: {  	s0 =	sadd.s32 @!p0 $0x100000, s1;
	[bflag:$0x2] =	sbarrier.arrive $0xFFFF  }
0x4b: {  	[sflag:s0] =	ssyncadd.tile.s32 @!p0 $0x1;
	_ =	shalt  }
.Lfunc_end2:
_tile_overlayer_lowered:
.L_overlay_start_2:
0x4c: {  	(tag) =	ssettag $0x2  }
0x4d: {  	s0 =	rddreg [dreg:$0x0];
	s2 =	stileid.u32  }
0x4e: {  	s1 =	rddreg [dreg:$0x1];
	p0 =	sne.s32 s2, $0x0  }
0x4f: {  	s3 =	rddreg [dreg:$0x2];
	[bflag:$0x3] =	sbarrier.arrive $0xFFFF;
	s2 =	simm.s32 @!p0 $0x1C02  }
0x50: {  	[timem:s3], [sflag:s2] =	dma.local @!p0 [hbm:s0], s1  }
0x51: {  	s0 =	simm.s32 @!p0 $0x2  }
0x52: {  	_ =	swait.ge @!p0 [sflag:s0], s1  }
0x53: {  	s1 =	ssub.s32 @!p0 $0x0, s1;
	[sflag:s0] =	ssyncset.done @!p0 $0x0  }
0x54: {  	[sflag:s0] =	ssyncadd.s32 @!p0 s1  }
0x55: {  	[bflag:$0x3] =	sbarrier.arrive $0xFFFF  }
0x56: {  	_ =	shalt  }

</sc_bundles>
